<compile_context>
chip_gen: v7x
topology: tpu7x:2x2x1
jax: 0.10.2.dev20260603
libtpu: 0.0.44.dev20260713+nightly
codegen_flags: <defaults>
</compile_context>

<pallas_src>
import jax
import jax.numpy as jnp
from jax import lax
from jax.experimental import pallas as pl
from jax.experimental.pallas import tpu as pltpu
from jax.experimental.pallas import tpu_sc as plsc

OUT_N = 100000
OUT_PAD = 100352
NUM_E = 6400000
NC, NS, L = 2, 16, 16
NW = NC * NS
CCOL = 3200
NCH = NUM_E // CCOL
NBUF = 4
KPW = 64
VPC = CCOL // L
UNROLL = 10
ZUNROLL = 8
NZERO = OUT_PAD // L

P2_W = 3200
P2_WLAST = OUT_PAD - (NW - 1) * P2_W


def _sc_hist_body(edge_hbm, partial_hbm, buf0, buf1, buf2, buf3, counts_v,
                  sem0, sem1, sem2, sem3):
    wid = lax.axis_index("s") * NC + lax.axis_index("c")
    bufs = (buf0, buf1, buf2, buf3)
    sems = (sem0, sem1, sem2, sem3)

    zeros16 = jnp.zeros((L,), jnp.float32)
    ones16 = jnp.ones((L,), jnp.float32)

    def _col(k):
        q = jnp.minimum(k * NW + wid, NCH - 1)
        return pl.multiple_of(q * CCOL, CCOL)

    def _start(k, buf, sem):
        pltpu.async_copy(edge_hbm.at[:, pl.ds(_col(k), CCOL)], buf, sem)

    for b in range(NBUF):
        _start(b, bufs[b], sems[b])

    @plsc.parallel_loop(0, NZERO, 1, unroll=ZUNROLL)
    def _clear(j):
        counts_v[pl.ds(j * L, L)] = zeros16

    def _wait(buf, sem):
        pltpu.make_async_copy(edge_hbm.at[:, pl.ds(0, CCOL)], buf, sem).wait()

    def _scatter(k, buf):
        live = (k * NW + wid) < NCH
        mask = jnp.full((L,), live)

        @plsc.parallel_loop(0, VPC, 1, unroll=UNROLL)
        def _vec(i):
            idx = buf[1, pl.ds(i * L, L)]
            plsc.addupdate_scatter(counts_v, [idx], ones16, mask=mask)

    def _outer(j, c):
        k0 = NBUF * j
        for b in range(NBUF):
            k = k0 + b
            _wait(bufs[b], sems[b])
            _scatter(k, bufs[b])

            @pl.when(k + NBUF < KPW)
            def _():
                _start(k + NBUF, bufs[b], sems[b])

        return c

    lax.fori_loop(0, KPW // NBUF, _outer, 0)

    pltpu.sync_copy(counts_v, partial_hbm.at[wid])


def _sc_reduce_body(partial_hbm, out_hbm, buf_v, acc_v):
    wid = lax.axis_index("s") * NC + lax.axis_index("c")
    start = wid * P2_W

    def _reduce(W):
        pltpu.sync_copy(partial_hbm.at[:, pl.ds(start, W)],
                        buf_v.at[:, pl.ds(0, W)])

        @plsc.parallel_loop(0, W // L, 1, unroll=2)
        def _g(i):
            col = i * L
            a = buf_v[0, pl.ds(col, L)]
            for r in range(1, NW):
                a = a + buf_v[r, pl.ds(col, L)]
            acc_v[pl.ds(col, L)] = a

        pltpu.sync_copy(acc_v.at[pl.ds(0, W)], out_hbm.at[pl.ds(start, W)])

    @pl.when(wid < NW - 1)
    def _():
        _reduce(P2_W)

    @pl.when(wid == NW - 1)
    def _():
        _reduce(P2_WLAST)


def kernel(edge_index, num_nodes, num_edges):
    del num_nodes, num_edges

    mesh = plsc.VectorSubcoreMesh(core_axis_name="c", subcore_axis_name="s")
    params = pltpu.CompilerParams(needs_layout_passes=False)

    partials = pl.kernel(
        _sc_hist_body,
        out_type=jax.ShapeDtypeStruct((NW, OUT_PAD), jnp.float32),
        mesh=mesh,
        compiler_params=params,
        scratch_types=[
            pltpu.VMEM((2, CCOL), jnp.int32),
            pltpu.VMEM((2, CCOL), jnp.int32),
            pltpu.VMEM((2, CCOL), jnp.int32),
            pltpu.VMEM((2, CCOL), jnp.int32),
            pltpu.VMEM((OUT_PAD,), jnp.float32),
            pltpu.SemaphoreType.DMA,
            pltpu.SemaphoreType.DMA,
            pltpu.SemaphoreType.DMA,
            pltpu.SemaphoreType.DMA,
        ],
    )(edge_index)

    counts = pl.kernel(
        _sc_reduce_body,
        out_type=jax.ShapeDtypeStruct((OUT_PAD,), jnp.float32),
        mesh=mesh,
        compiler_params=params,
        scratch_types=[
            pltpu.VMEM((NW, P2_W), jnp.float32),
            pltpu.VMEM((P2_W,), jnp.float32),
        ],
    )(partials)
    return counts[:OUT_N]

# --- scband reference (transcript-rebuilt; emitter-appended) ---
"""Pipeline reference for scband-sageprimitive-reduce-count-41807211659459 (READ-ONLY COPY).

The authoritative reference and input builder live on the scoring server;
editing this copy changes nothing except your own understanding.
"""

import jax, jax.numpy as jnp
import numpy as np

NUM_NODES = 100000
NUM_EDGES = 6400000


def setup_inputs(seed: int = 0) -> dict:
    key = jax.random.key(seed)
    edge_index = jax.random.randint(key, (2, NUM_EDGES), 0, NUM_NODES, dtype=jnp.int32)
    return {
        "edge_index": edge_index,
        "num_nodes": NUM_NODES,
        "num_edges": NUM_EDGES,
    }


def reference(edge_index, num_nodes, num_edges):
    # SAGE REDUCE_COUNT: scatter-add of ones onto destination nodes -> per-node in-degree counts.
    zero = (num_nodes - num_nodes) + (num_edges - num_edges)
    dst = edge_index[1] + zero
    ones = jnp.ones((edge_index.shape[1],), dtype=jnp.float32)
    counts = jnp.zeros((NUM_NODES,), dtype=jnp.float32).at[dst].add(ones)
    return counts

if __name__ == "__main__":
    import jax
    _d = setup_inputs()
    print(jax.jit(kernel)(*tuple(_d.values())))

</pallas_src>

<mosaic_0001>
#map = affine_map<(d0, d1) -> (0, 0)>
#map1 = affine_map<(d0, d1) -> (0)>
module attributes {stable_mosaic.version = 14 : i64} {
  func.func @_sc_reduce_body(%arg0: i32, %arg1: i32, %arg2: memref<32x100352xf32, #tpu.memory_space<hbm>>, %arg3: memref<100352xf32, #tpu.memory_space<hbm>>, %arg4: memref<32x3200xf32, #tpu.memory_space<vmem>>, %arg5: memref<3200xf32, #tpu.memory_space<vmem>>) attributes {dimension_semantics = [#tpu.dimension_semantics<core_parallel>, #tpu.dimension_semantics<subcore_parallel>], iteration_bounds = array<i64: 2, 16>, scalar_prefetch = 0 : i64, scratch_operands = 2 : i64, tpu.core_type = #tpu.core_type<sc_vector_subcore>, window_params = [{transform_indices = #map}, {transform_indices = #map1}]} {
    %mul3A = arith.constant 2 : i32
    %mul3A_0 = arith.muli %arg1, %mul3A : i32
    %add3A = arith.addi %mul3A_0, %arg0 : i32
    %mul3A_1 = arith.constant 3200 : i32
    %mul3A_2 = arith.muli %add3A, %mul3A_1 : i32
    %lt3A = arith.constant 31 : i32
    %lt3A_3 = arith.cmpi slt, %add3A, %lt3A : i32
    %convert_element_type3A = arith.extui %lt3A_3 : i1 to i32
    %cond3A = arith.constant 0 : i32
    %cond3A_4 = arith.cmpi ne, %convert_element_type3A, %cond3A : i32
    scf.if %cond3A_4 {
      "tpu.region"() ({
        %run_scoped3A = tpu.sem_alloc : memref<!tpu.dma_semaphore, #tpu.memory_space<semaphore_mem>>
        %dma_start3A = arith.constant 0 : i32
        %dma_start3A_11 = arith.constant 0 : i32
        %dma_start3A_12 = tpu.memref_slice %arg4[%dma_start3A, %dma_start3A_11] : memref<32x3200xf32, #tpu.memory_space<vmem>> -> memref<32x3200xf32, #tpu.memory_space<vmem>>
        %dma_start3A_13 = arith.constant 0 : i32
        %dma_start3A_14 = tpu.memref_slice %arg2[%dma_start3A_13, %mul3A_2] : memref<32x100352xf32, #tpu.memory_space<hbm>> -> memref<32x3200xf32, #tpu.memory_space<hbm>>
        %dma_start3A_15 = arith.constant 0 : i32
        %dma_start3A_16 = arith.constant 0 : i32
        %dma_start3A_17 = tpu.memref_slice %arg4[%dma_start3A_15, %dma_start3A_16] : memref<32x3200xf32, #tpu.memory_space<vmem>> -> memref<32x3200xf32, #tpu.memory_space<vmem>>
        %dma_start3A_18 = arith.constant 0 : i32
        %dma_start3A_19 = tpu.memref_slice %arg2[%dma_start3A_18, %mul3A_2] : memref<32x100352xf32, #tpu.memory_space<hbm>> -> memref<32x3200xf32, #tpu.memory_space<hbm>>
        tpu.enqueue_dma source(%dma_start3A_19 : memref<32x3200xf32, #tpu.memory_space<hbm>>) target(%dma_start3A_17 : memref<32x3200xf32, #tpu.memory_space<vmem>>) target_semaphore(%run_scoped3A : memref<!tpu.dma_semaphore, #tpu.memory_space<semaphore_mem>>)
        %dma_wait3A = arith.constant 0 : i32
        %dma_wait3A_20 = arith.constant 0 : i32
        %dma_wait3A_21 = tpu.memref_slice %arg4[%dma_wait3A, %dma_wait3A_20] : memref<32x3200xf32, #tpu.memory_space<vmem>> -> memref<32x3200xf32, #tpu.memory_space<vmem>>
        %dma_wait3A_22 = arith.constant 0 : i32
        %dma_wait3A_23 = tpu.memref_slice %arg2[%dma_wait3A_22, %mul3A_2] : memref<32x100352xf32, #tpu.memory_space<hbm>> -> memref<32x3200xf32, #tpu.memory_space<hbm>>
        %dma_wait3A_24 = arith.constant 0 : i32
        %dma_wait3A_25 = arith.constant 0 : i32
        %dma_wait3A_26 = tpu.memref_slice %arg4[%dma_wait3A_24, %dma_wait3A_25] : memref<32x3200xf32, #tpu.memory_space<vmem>> -> memref<32x3200xf32, #tpu.memory_space<vmem>>
        %dma_wait3A_27 = arith.constant 0 : i32
        %dma_wait3A_28 = tpu.memref_slice %arg2[%dma_wait3A_27, %mul3A_2] : memref<32x100352xf32, #tpu.memory_space<hbm>> -> memref<32x3200xf32, #tpu.memory_space<hbm>>
        tpu.wait_dma2 semaphore(%run_scoped3A : memref<!tpu.dma_semaphore, #tpu.memory_space<semaphore_mem>>) src(%dma_wait3A_28 : memref<32x3200xf32, #tpu.memory_space<hbm>>) dst(%dma_wait3A_26 : memref<32x3200xf32, #tpu.memory_space<vmem>>)
        tpu.yield
      }) : () -> ()
      %parallel_loop3A = arith.constant 0 : i32
      %parallel_loop3A_9 = arith.constant 200 : i32
      %parallel_loop3A_10 = arith.constant 1 : i32
      scf.for %parallel_loop3A_11 = %parallel_loop3A to %parallel_loop3A_9 step %parallel_loop3A_10  : i32 {
        %parallel_loop3A_12 = arith.constant 16 : i32
        %parallel_loop3A_13 = arith.muli %parallel_loop3A_11, %parallel_loop3A_12 : i32
        %parallel_loop3A_14 = arith.constant 0 : i32
        %parallel_loop3A_15 = arith.index_cast %parallel_loop3A_14 : i32 to index
        %parallel_loop3A_16 = arith.index_cast %parallel_loop3A_13 : i32 to index
        %parallel_loop3A_17 = tpu.vector_load %arg4[%parallel_loop3A_15, %parallel_loop3A_16] {strides = array<i32>} : memref<32x3200xf32, #tpu.memory_space<vmem>>, vector<16xf32>,
        %parallel_loop3A_18 = arith.constant 1 : i32
        %parallel_loop3A_19 = arith.index_cast %parallel_loop3A_18 : i32 to index
        %parallel_loop3A_20 = arith.index_cast %parallel_loop3A_13 : i32 to index
        %parallel_loop3A_21 = tpu.vector_load %arg4[%parallel_loop3A_19, %parallel_loop3A_20] {strides = array<i32>} : memref<32x3200xf32, #tpu.memory_space<vmem>>, vector<16xf32>,
        %parallel_loop3A_22 = arith.addf %parallel_loop3A_17, %parallel_loop3A_21 : vector<16xf32>
        %parallel_loop3A_23 = arith.constant 2 : i32
        %parallel_loop3A_24 = arith.index_cast %parallel_loop3A_23 : i32 to index
        %parallel_loop3A_25 = arith.index_cast %parallel_loop3A_13 : i32 to index
        %parallel_loop3A_26 = tpu.vector_load %arg4[%parallel_loop3A_24, %parallel_loop3A_25] {strides = array<i32>} : memref<32x3200xf32, #tpu.memory_space<vmem>>, vector<16xf32>,
        %parallel_loop3A_27 = arith.addf %parallel_loop3A_22, %parallel_loop3A_26 : vector<16xf32>
        %parallel_loop3A_28 = arith.constant 3 : i32
        %parallel_loop3A_29 = arith.index_cast %parallel_loop3A_28 : i32 to index
        %parallel_loop3A_30 = arith.index_cast %parallel_loop3A_13 : i32 to index
        %parallel_loop3A_31 = tpu.vector_load %arg4[%parallel_loop3A_29, %parallel_loop3A_30] {strides = array<i32>} : memref<32x3200xf32, #tpu.memory_space<vmem>>, vector<16xf32>,
        %parallel_loop3A_32 = arith.addf %parallel_loop3A_27, %parallel_loop3A_31 : vector<16xf32>
        %parallel_loop3A_33 = arith.constant 4 : i32
        %parallel_loop3A_34 = arith.index_cast %parallel_loop3A_33 : i32 to index
        %parallel_loop3A_35 = arith.index_cast %parallel_loop3A_13 : i32 to index
        %parallel_loop3A_36 = tpu.vector_load %arg4[%parallel_loop3A_34, %parallel_loop3A_35] {strides = array<i32>} : memref<32x3200xf32, #tpu.memory_space<vmem>>, vector<16xf32>,
        %parallel_loop3A_37 = arith.addf %parallel_loop3A_32, %parallel_loop3A_36 : vector<16xf32>
        %parallel_loop3A_38 = arith.constant 5 : i32
        %parallel_loop3A_39 = arith.index_cast %parallel_loop3A_38 : i32 to index
        %parallel_loop3A_40 = arith.index_cast %parallel_loop3A_13 : i32 to index
        %parallel_loop3A_41 = tpu.vector_load %arg4[%parallel_loop3A_39, %parallel_loop3A_40] {strides = array<i32>} : memref<32x3200xf32, #tpu.memory_space<vmem>>, vector<16xf32>,
        %parallel_loop3A_42 = arith.addf %parallel_loop3A_37, %parallel_loop3A_41 : vector<16xf32>
        %parallel_loop3A_43 = arith.constant 6 : i32
        %parallel_loop3A_44 = arith.index_cast %parallel_loop3A_43 : i32 to index
        %parallel_loop3A_45 = arith.index_cast %parallel_loop3A_13 : i32 to index
        %parallel_loop3A_46 = tpu.vector_load %arg4[%parallel_loop3A_44, %parallel_loop3A_45] {strides = array<i32>} : memref<32x3200xf32, #tpu.memory_space<vmem>>, vector<16xf32>,
        %parallel_loop3A_47 = arith.addf %parallel_loop3A_42, %parallel_loop3A_46 : vector<16xf32>
        %parallel_loop3A_48 = arith.constant 7 : i32
        %parallel_loop3A_49 = arith.index_cast %parallel_loop3A_48 : i32 to index
        %parallel_loop3A_50 = arith.index_cast %parallel_loop3A_13 : i32 to index
        %parallel_loop3A_51 = tpu.vector_load %arg4[%parallel_loop3A_49, %parallel_loop3A_50] {strides = array<i32>} : memref<32x3200xf32, #tpu.memory_space<vmem>>, vector<16xf32>,
        %parallel_loop3A_52 = arith.addf %parallel_loop3A_47, %parallel_loop3A_51 : vector<16xf32>
        %parallel_loop3A_53 = arith.constant 8 : i32
        %parallel_loop3A_54 = arith.index_cast %parallel_loop3A_53 : i32 to index
        %parallel_loop3A_55 = arith.index_cast %parallel_loop3A_13 : i32 to index
        %parallel_loop3A_56 = tpu.vector_load %arg4[%parallel_loop3A_54, %parallel_loop3A_55] {strides = array<i32>} : memref<32x3200xf32, #tpu.memory_space<vmem>>, vector<16xf32>,
        %parallel_loop3A_57 = arith.addf %parallel_loop3A_52, %parallel_loop3A_56 : vector<16xf32>
        %parallel_loop3A_58 = arith.constant 9 : i32
        %parallel_loop3A_59 = arith.index_cast %parallel_loop3A_58 : i32 to index
        %parallel_loop3A_60 = arith.index_cast %parallel_loop3A_13 : i32 to index
        %parallel_loop3A_61 = tpu.vector_load %arg4[%parallel_loop3A_59, %parallel_loop3A_60] {strides = array<i32>} : memref<32x3200xf32, #tpu.memory_space<vmem>>, vector<16xf32>,
        %parallel_loop3A_62 = arith.addf %parallel_loop3A_57, %parallel_loop3A_61 : vector<16xf32>
        %parallel_loop3A_63 = arith.constant 10 : i32
        %parallel_loop3A_64 = arith.index_cast %parallel_loop3A_63 : i32 to index
        %parallel_loop3A_65 = arith.index_cast %parallel_loop3A_13 : i32 to index
        %parallel_loop3A_66 = tpu.vector_load %arg4[%parallel_loop3A_64, %parallel_loop3A_65] {strides = array<i32>} : memref<32x3200xf32, #tpu.memory_space<vmem>>, vector<16xf32>,
        %parallel_loop3A_67 = arith.addf %parallel_loop3A_62, %parallel_loop3A_66 : vector<16xf32>
        %parallel_loop3A_68 = arith.constant 11 : i32
        %parallel_loop3A_69 = arith.index_cast %parallel_loop3A_68 : i32 to index
        %parallel_loop3A_70 = arith.index_cast %parallel_loop3A_13 : i32 to index
        %parallel_loop3A_71 = tpu.vector_load %arg4[%parallel_loop3A_69, %parallel_loop3A_70] {strides = array<i32>} : memref<32x3200xf32, #tpu.memory_space<vmem>>, vector<16xf32>,
        %parallel_loop3A_72 = arith.addf %parallel_loop3A_67, %parallel_loop3A_71 : vector<16xf32>
        %parallel_loop3A_73 = arith.constant 12 : i32
        %parallel_loop3A_74 = arith.index_cast %parallel_loop3A_73 : i32 to index
        %parallel_loop3A_75 = arith.index_cast %parallel_loop3A_13 : i32 to index
        %parallel_loop3A_76 = tpu.vector_load %arg4[%parallel_loop3A_74, %parallel_loop3A_75] {strides = array<i32>} : memref<32x3200xf32, #tpu.memory_space<vmem>>, vector<16xf32>,
        %parallel_loop3A_77 = arith.addf %parallel_loop3A_72, %parallel_loop3A_76 : vector<16xf32>
        %parallel_loop3A_78 = arith.constant 13 : i32
        %parallel_loop3A_79 = arith.index_cast %parallel_loop3A_78 : i32 to index
        %parallel_loop3A_80 = arith.index_cast %parallel_loop3A_13 : i32 to index
        %parallel_loop3A_81 = tpu.vector_load %arg4[%parallel_loop3A_79, %parallel_loop3A_80] {strides = array<i32>} : memref<32x3200xf32, #tpu.memory_space<vmem>>, vector<16xf32>,
        %parallel_loop3A_82 = arith.addf %parallel_loop3A_77, %parallel_loop3A_81 : vector<16xf32>
        %parallel_loop3A_83 = arith.constant 14 : i32
        %parallel_loop3A_84 = arith.index_cast %parallel_loop3A_83 : i32 to index
        %parallel_loop3A_85 = arith.index_cast %parallel_loop3A_13 : i32 to index
        %parallel_loop3A_86 = tpu.vector_load %arg4[%parallel_loop3A_84, %parallel_loop3A_85] {strides = array<i32>} : memref<32x3200xf32, #tpu.memory_space<vmem>>, vector<16xf32>,
        %parallel_loop3A_87 = arith.addf %parallel_loop3A_82, %parallel_loop3A_86 : vector<16xf32>
        %parallel_loop3A_88 = arith.constant 15 : i32
        %parallel_loop3A_89 = arith.index_cast %parallel_loop3A_88 : i32 to index
        %parallel_loop3A_90 = arith.index_cast %parallel_loop3A_13 : i32 to index
        %parallel_loop3A_91 = tpu.vector_load %arg4[%parallel_loop3A_89, %parallel_loop3A_90] {strides = array<i32>} : memref<32x3200xf32, #tpu.memory_space<vmem>>, vector<16xf32>,
        %parallel_loop3A_92 = arith.addf %parallel_loop3A_87, %parallel_loop3A_91 : vector<16xf32>
        %parallel_loop3A_93 = arith.constant 16 : i32
        %parallel_loop3A_94 = arith.index_cast %parallel_loop3A_93 : i32 to index
        %parallel_loop3A_95 = arith.index_cast %parallel_loop3A_13 : i32 to index
        %parallel_loop3A_96 = tpu.vector_load %arg4[%parallel_loop3A_94, %parallel_loop3A_95] {strides = array<i32>} : memref<32x3200xf32, #tpu.memory_space<vmem>>, vector<16xf32>,
        %parallel_loop3A_97 = arith.addf %parallel_loop3A_92, %parallel_loop3A_96 : vector<16xf32>
        %parallel_loop3A_98 = arith.constant 17 : i32
        %parallel_loop3A_99 = arith.index_cast %parallel_loop3A_98 : i32 to index
        %parallel_loop3A_100 = arith.index_cast %parallel_loop3A_13 : i32 to index
        %parallel_loop3A_101 = tpu.vector_load %arg4[%parallel_loop3A_99, %parallel_loop3A_100] {strides = array<i32>} : memref<32x3200xf32, #tpu.memory_space<vmem>>, vector<16xf32>,
        %parallel_loop3A_102 = arith.addf %parallel_loop3A_97, %parallel_loop3A_101 : vector<16xf32>
        %parallel_loop3A_103 = arith.constant 18 : i32
        %parallel_loop3A_104 = arith.index_cast %parallel_loop3A_103 : i32 to index
        %parallel_loop3A_105 = arith.index_cast %parallel_loop3A_13 : i32 to index
        %parallel_loop3A_106 = tpu.vector_load %arg4[%parallel_loop3A_104, %parallel_loop3A_105] {strides = array<i32>} : memref<32x3200xf32, #tpu.memory_space<vmem>>, vector<16xf32>,
        %parallel_loop3A_107 = arith.addf %parallel_loop3A_102, %parallel_loop3A_106 : vector<16xf32>
        %parallel_loop3A_108 = arith.constant 19 : i32
        %parallel_loop3A_109 = arith.index_cast %parallel_loop3A_108 : i32 to index
        %parallel_loop3A_110 = arith.index_cast %parallel_loop3A_13 : i32 to index
        %parallel_loop3A_111 = tpu.vector_load %arg4[%parallel_loop3A_109, %parallel_loop3A_110] {strides = array<i32>} : memref<32x3200xf32, #tpu.memory_space<vmem>>, vector<16xf32>,
        %parallel_loop3A_112 = arith.addf %parallel_loop3A_107, %parallel_loop3A_111 : vector<16xf32>
        %parallel_loop3A_113 = arith.constant 20 : i32
        %parallel_loop3A_114 = arith.index_cast %parallel_loop3A_113 : i32 to index
        %parallel_loop3A_115 = arith.index_cast %parallel_loop3A_13 : i32 to index
        %parallel_loop3A_116 = tpu.vector_load %arg4[%parallel_loop3A_114, %parallel_loop3A_115] {strides = array<i32>} : memref<32x3200xf32, #tpu.memory_space<vmem>>, vector<16xf32>,
        %parallel_loop3A_117 = arith.addf %parallel_loop3A_112, %parallel_loop3A_116 : vector<16xf32>
        %parallel_loop3A_118 = arith.constant 21 : i32
        %parallel_loop3A_119 = arith.index_cast %parallel_loop3A_118 : i32 to index
        %parallel_loop3A_120 = arith.index_cast %parallel_loop3A_13 : i32 to index
        %parallel_loop3A_121 = tpu.vector_load %arg4[%parallel_loop3A_119, %parallel_loop3A_120] {strides = array<i32>} : memref<32x3200xf32, #tpu.memory_space<vmem>>, vector<16xf32>,
        %parallel_loop3A_122 = arith.addf %parallel_loop3A_117, %parallel_loop3A_121 : vector<16xf32>
        %parallel_loop3A_123 = arith.constant 22 : i32
        %parallel_loop3A_124 = arith.index_cast %parallel_loop3A_123 : i32 to index
        %parallel_loop3A_125 = arith.index_cast %parallel_loop3A_13 : i32 to index
        %parallel_loop3A_126 = tpu.vector_load %arg4[%parallel_loop3A_124, %parallel_loop3A_125] {strides = array<i32>} : memref<32x3200xf32, #tpu.memory_space<vmem>>, vector<16xf32>,
        %parallel_loop3A_127 = arith.addf %parallel_loop3A_122, %parallel_loop3A_126 : vector<16xf32>
        %parallel_loop3A_128 = arith.constant 23 : i32
        %parallel_loop3A_129 = arith.index_cast %parallel_loop3A_128 : i32 to index
        %parallel_loop3A_130 = arith.index_cast %parallel_loop3A_13 : i32 to index
        %parallel_loop3A_131 = tpu.vector_load %arg4[%parallel_loop3A_129, %parallel_loop3A_130] {strides = array<i32>} : memref<32x3200xf32, #tpu.memory_space<vmem>>, vector<16xf32>,
        %parallel_loop3A_132 = arith.addf %parallel_loop3A_127, %parallel_loop3A_131 : vector<16xf32>
        %parallel_loop3A_133 = arith.constant 24 : i32
        %parallel_loop3A_134 = arith.index_cast %parallel_loop3A_133 : i32 to index
        %parallel_loop3A_135 = arith.index_cast %parallel_loop3A_13 : i32 to index
        %parallel_loop3A_136 = tpu.vector_load %arg4[%parallel_loop3A_134, %parallel_loop3A_135] {strides = array<i32>} : memref<32x3200xf32, #tpu.memory_space<vmem>>, vector<16xf32>,
        %parallel_loop3A_137 = arith.addf %parallel_loop3A_132, %parallel_loop3A_136 : vector<16xf32>
        %parallel_loop3A_138 = arith.constant 25 : i32
        %parallel_loop3A_139 = arith.index_cast %parallel_loop3A_138 : i32 to index
        %parallel_loop3A_140 = arith.index_cast %parallel_loop3A_13 : i32 to index
        %parallel_loop3A_141 = tpu.vector_load %arg4[%parallel_loop3A_139, %parallel_loop3A_140] {strides = array<i32>} : memref<32x3200xf32, #tpu.memory_space<vmem>>, vector<16xf32>,
        %parallel_loop3A_142 = arith.addf %parallel_loop3A_137, %parallel_loop3A_141 : vector<16xf32>
        %parallel_loop3A_143 = arith.constant 26 : i32
        %parallel_loop3A_144 = arith.index_cast %parallel_loop3A_143 : i32 to index
        %parallel_loop3A_145 = arith.index_cast %parallel_loop3A_13 : i32 to index
        %parallel_loop3A_146 = tpu.vector_load %arg4[%parallel_loop3A_144, %parallel_loop3A_145] {strides = array<i32>} : memref<32x3200xf32, #tpu.memory_space<vmem>>, vector<16xf32>,
        %parallel_loop3A_147 = arith.addf %parallel_loop3A_142, %parallel_loop3A_146 : vector<16xf32>
        %parallel_loop3A_148 = arith.constant 27 : i32
        %parallel_loop3A_149 = arith.index_cast %parallel_loop3A_148 : i32 to index
        %parallel_loop3A_150 = arith.index_cast %parallel_loop3A_13 : i32 to index
        %parallel_loop3A_151 = tpu.vector_load %arg4[%parallel_loop3A_149, %parallel_loop3A_150] {strides = array<i32>} : memref<32x3200xf32, #tpu.memory_space<vmem>>, vector<16xf32>,
        %parallel_loop3A_152 = arith.addf %parallel_loop3A_147, %parallel_loop3A_151 : vector<16xf32>
        %parallel_loop3A_153 = arith.constant 28 : i32
        %parallel_loop3A_154 = arith.index_cast %parallel_loop3A_153 : i32 to index
        %parallel_loop3A_155 = arith.index_cast %parallel_loop3A_13 : i32 to index
        %parallel_loop3A_156 = tpu.vector_load %arg4[%parallel_loop3A_154, %parallel_loop3A_155] {strides = array<i32>} : memref<32x3200xf32, #tpu.memory_space<vmem>>, vector<16xf32>,
        %parallel_loop3A_157 = arith.addf %parallel_loop3A_152, %parallel_loop3A_156 : vector<16xf32>
        %parallel_loop3A_158 = arith.constant 29 : i32
        %parallel_loop3A_159 = arith.index_cast %parallel_loop3A_158 : i32 to index
        %parallel_loop3A_160 = arith.index_cast %parallel_loop3A_13 : i32 to index
        %parallel_loop3A_161 = tpu.vector_load %arg4[%parallel_loop3A_159, %parallel_loop3A_160] {strides = array<i32>} : memref<32x3200xf32, #tpu.memory_space<vmem>>, vector<16xf32>,
        %parallel_loop3A_162 = arith.addf %parallel_loop3A_157, %parallel_loop3A_161 : vector<16xf32>
        %parallel_loop3A_163 = arith.constant 30 : i32
        %parallel_loop3A_164 = arith.index_cast %parallel_loop3A_163 : i32 to index
        %parallel_loop3A_165 = arith.index_cast %parallel_loop3A_13 : i32 to index
        %parallel_loop3A_166 = tpu.vector_load %arg4[%parallel_loop3A_164, %parallel_loop3A_165] {strides = array<i32>} : memref<32x3200xf32, #tpu.memory_space<vmem>>, vector<16xf32>,
        %parallel_loop3A_167 = arith.addf %parallel_loop3A_162, %parallel_loop3A_166 : vector<16xf32>
        %parallel_loop3A_168 = arith.constant 31 : i32
        %parallel_loop3A_169 = arith.index_cast %parallel_loop3A_168 : i32 to index
        %parallel_loop3A_170 = arith.index_cast %parallel_loop3A_13 : i32 to index
        %parallel_loop3A_171 = tpu.vector_load %arg4[%parallel_loop3A_169, %parallel_loop3A_170] {strides = array<i32>} : memref<32x3200xf32, #tpu.memory_space<vmem>>, vector<16xf32>,
        %parallel_loop3A_172 = arith.addf %parallel_loop3A_167, %parallel_loop3A_171 : vector<16xf32>
        %parallel_loop3A_173 = arith.index_cast %parallel_loop3A_13 : i32 to index
        %parallel_loop3A_174 = tpu.vector_load %arg5[%parallel_loop3A_173] {strides = array<i32>} : memref<3200xf32, #tpu.memory_space<vmem>>, vector<16xf32>,
        tpu.vector_store %arg5[%parallel_loop3A_173], %parallel_loop3A_172 {strides = array<i32>} : memref<3200xf32, #tpu.memory_space<vmem>>, vector<16xf32>,
      } {sc.loop_unroll_factor = 2 : i64, sc.parallel_access}
      "tpu.region"() ({
        %run_scoped3A = tpu.sem_alloc : memref<!tpu.dma_semaphore, #tpu.memory_space<semaphore_mem>>
        %dma_start3A = arith.constant 0 : i32
        %dma_start3A_11 = tpu.memref_slice %arg5[%dma_start3A] : memref<3200xf32, #tpu.memory_space<vmem>> -> memref<3200xf32, #tpu.memory_space<vmem>>
        %dma_start3A_12 = tpu.memref_slice %arg3[%mul3A_2] : memref<100352xf32, #tpu.memory_space<hbm>> -> memref<3200xf32, #tpu.memory_space<hbm>>
        %dma_start3A_13 = tpu.memref_slice %arg3[%mul3A_2] : memref<100352xf32, #tpu.memory_space<hbm>> -> memref<3200xf32, #tpu.memory_space<hbm>>
        %dma_start3A_14 = arith.constant 0 : i32
        %dma_start3A_15 = tpu.memref_slice %arg5[%dma_start3A_14] : memref<3200xf32, #tpu.memory_space<vmem>> -> memref<3200xf32, #tpu.memory_space<vmem>>
        tpu.enqueue_dma source(%dma_start3A_15 : memref<3200xf32, #tpu.memory_space<vmem>>) target(%dma_start3A_13 : memref<3200xf32, #tpu.memory_space<hbm>>) target_semaphore(%run_scoped3A : memref<!tpu.dma_semaphore, #tpu.memory_space<semaphore_mem>>)
        %dma_wait3A = arith.constant 0 : i32
        %dma_wait3A_16 = tpu.memref_slice %arg5[%dma_wait3A] : memref<3200xf32, #tpu.memory_space<vmem>> -> memref<3200xf32, #tpu.memory_space<vmem>>
        %dma_wait3A_17 = tpu.memref_slice %arg3[%mul3A_2] : memref<100352xf32, #tpu.memory_space<hbm>> -> memref<3200xf32, #tpu.memory_space<hbm>>
        %dma_wait3A_18 = tpu.memref_slice %arg3[%mul3A_2] : memref<100352xf32, #tpu.memory_space<hbm>> -> memref<3200xf32, #tpu.memory_space<hbm>>
        %dma_wait3A_19 = arith.constant 0 : i32
        %dma_wait3A_20 = tpu.memref_slice %arg5[%dma_wait3A_19] : memref<3200xf32, #tpu.memory_space<vmem>> -> memref<3200xf32, #tpu.memory_space<vmem>>
        tpu.wait_dma2 semaphore(%run_scoped3A : memref<!tpu.dma_semaphore, #tpu.memory_space<semaphore_mem>>) src(%dma_wait3A_20 : memref<3200xf32, #tpu.memory_space<vmem>>) dst(%dma_wait3A_18 : memref<3200xf32, #tpu.memory_space<hbm>>)
        tpu.yield
      }) : () -> ()
    } else {
    }
    %eq3A = arith.constant 31 : i32
    %eq3A_5 = arith.cmpi eq, %add3A, %eq3A : i32
    %convert_element_type3A_6 = arith.extui %eq3A_5 : i1 to i32
    %cond3A_7 = arith.constant 0 : i32
    %cond3A_8 = arith.cmpi ne, %convert_element_type3A_6, %cond3A_7 : i32
    scf.if %cond3A_8 {
      "tpu.region"() ({
        %run_scoped3A = tpu.sem_alloc : memref<!tpu.dma_semaphore, #tpu.memory_space<semaphore_mem>>
        %dma_start3A = arith.constant 0 : i32
        %dma_start3A_11 = arith.constant 0 : i32
        %dma_start3A_12 = tpu.memref_slice %arg4[%dma_start3A, %dma_start3A_11] : memref<32x3200xf32, #tpu.memory_space<vmem>> -> memref<32x1152xf32, #tpu.memory_space<vmem>>
        %dma_start3A_13 = arith.constant 0 : i32
        %dma_start3A_14 = tpu.memref_slice %arg2[%dma_start3A_13, %mul3A_2] : memref<32x100352xf32, #tpu.memory_space<hbm>> -> memref<32x1152xf32, #tpu.memory_space<hbm>>
        %dma_start3A_15 = arith.constant 0 : i32
        %dma_start3A_16 = arith.constant 0 : i32
        %dma_start3A_17 = tpu.memref_slice %arg4[%dma_start3A_15, %dma_start3A_16] : memref<32x3200xf32, #tpu.memory_space<vmem>> -> memref<32x1152xf32, #tpu.memory_space<vmem>>
        %dma_start3A_18 = arith.constant 0 : i32
        %dma_start3A_19 = tpu.memref_slice %arg2[%dma_start3A_18, %mul3A_2] : memref<32x100352xf32, #tpu.memory_space<hbm>> -> memref<32x1152xf32, #tpu.memory_space<hbm>>
        tpu.enqueue_dma source(%dma_start3A_19 : memref<32x1152xf32, #tpu.memory_space<hbm>>) target(%dma_start3A_17 : memref<32x1152xf32, #tpu.memory_space<vmem>>) target_semaphore(%run_scoped3A : memref<!tpu.dma_semaphore, #tpu.memory_space<semaphore_mem>>)
        %dma_wait3A = arith.constant 0 : i32
        %dma_wait3A_20 = arith.constant 0 : i32
        %dma_wait3A_21 = tpu.memref_slice %arg4[%dma_wait3A, %dma_wait3A_20] : memref<32x3200xf32, #tpu.memory_space<vmem>> -> memref<32x1152xf32, #tpu.memory_space<vmem>>
        %dma_wait3A_22 = arith.constant 0 : i32
        %dma_wait3A_23 = tpu.memref_slice %arg2[%dma_wait3A_22, %mul3A_2] : memref<32x100352xf32, #tpu.memory_space<hbm>> -> memref<32x1152xf32, #tpu.memory_space<hbm>>
        %dma_wait3A_24 = arith.constant 0 : i32
        %dma_wait3A_25 = arith.constant 0 : i32
        %dma_wait3A_26 = tpu.memref_slice %arg4[%dma_wait3A_24, %dma_wait3A_25] : memref<32x3200xf32, #tpu.memory_space<vmem>> -> memref<32x1152xf32, #tpu.memory_space<vmem>>
        %dma_wait3A_27 = arith.constant 0 : i32
        %dma_wait3A_28 = tpu.memref_slice %arg2[%dma_wait3A_27, %mul3A_2] : memref<32x100352xf32, #tpu.memory_space<hbm>> -> memref<32x1152xf32, #tpu.memory_space<hbm>>
        tpu.wait_dma2 semaphore(%run_scoped3A : memref<!tpu.dma_semaphore, #tpu.memory_space<semaphore_mem>>) src(%dma_wait3A_28 : memref<32x1152xf32, #tpu.memory_space<hbm>>) dst(%dma_wait3A_26 : memref<32x1152xf32, #tpu.memory_space<vmem>>)
        tpu.yield
      }) : () -> ()
      %parallel_loop3A = arith.constant 0 : i32
      %parallel_loop3A_9 = arith.constant 72 : i32
      %parallel_loop3A_10 = arith.constant 1 : i32
      scf.for %parallel_loop3A_11 = %parallel_loop3A to %parallel_loop3A_9 step %parallel_loop3A_10  : i32 {
        %parallel_loop3A_12 = arith.constant 16 : i32
        %parallel_loop3A_13 = arith.muli %parallel_loop3A_11, %parallel_loop3A_12 : i32
        %parallel_loop3A_14 = arith.constant 0 : i32
        %parallel_loop3A_15 = arith.index_cast %parallel_loop3A_14 : i32 to index
        %parallel_loop3A_16 = arith.index_cast %parallel_loop3A_13 : i32 to index
        %parallel_loop3A_17 = tpu.vector_load %arg4[%parallel_loop3A_15, %parallel_loop3A_16] {strides = array<i32>} : memref<32x3200xf32, #tpu.memory_space<vmem>>, vector<16xf32>,
        %parallel_loop3A_18 = arith.constant 1 : i32
        %parallel_loop3A_19 = arith.index_cast %parallel_loop3A_18 : i32 to index
        %parallel_loop3A_20 = arith.index_cast %parallel_loop3A_13 : i32 to index
        %parallel_loop3A_21 = tpu.vector_load %arg4[%parallel_loop3A_19, %parallel_loop3A_20] {strides = array<i32>} : memref<32x3200xf32, #tpu.memory_space<vmem>>, vector<16xf32>,
        %parallel_loop3A_22 = arith.addf %parallel_loop3A_17, %parallel_loop3A_21 : vector<16xf32>
        %parallel_loop3A_23 = arith.constant 2 : i32
        %parallel_loop3A_24 = arith.index_cast %parallel_loop3A_23 : i32 to index
        %parallel_loop3A_25 = arith.index_cast %parallel_loop3A_13 : i32 to index
        %parallel_loop3A_26 = tpu.vector_load %arg4[%parallel_loop3A_24, %parallel_loop3A_25] {strides = array<i32>} : memref<32x3200xf32, #tpu.memory_space<vmem>>, vector<16xf32>,
        %parallel_loop3A_27 = arith.addf %parallel_loop3A_22, %parallel_loop3A_26 : vector<16xf32>
        %parallel_loop3A_28 = arith.constant 3 : i32
        %parallel_loop3A_29 = arith.index_cast %parallel_loop3A_28 : i32 to index
        %parallel_loop3A_30 = arith.index_cast %parallel_loop3A_13 : i32 to index
        %parallel_loop3A_31 = tpu.vector_load %arg4[%parallel_loop3A_29, %parallel_loop3A_30] {strides = array<i32>} : memref<32x3200xf32, #tpu.memory_space<vmem>>, vector<16xf32>,
        %parallel_loop3A_32 = arith.addf %parallel_loop3A_27, %parallel_loop3A_31 : vector<16xf32>
        %parallel_loop3A_33 = arith.constant 4 : i32
        %parallel_loop3A_34 = arith.index_cast %parallel_loop3A_33 : i32 to index
        %parallel_loop3A_35 = arith.index_cast %parallel_loop3A_13 : i32 to index
        %parallel_loop3A_36 = tpu.vector_load %arg4[%parallel_loop3A_34, %parallel_loop3A_35] {strides = array<i32>} : memref<32x3200xf32, #tpu.memory_space<vmem>>, vector<16xf32>,
        %parallel_loop3A_37 = arith.addf %parallel_loop3A_32, %parallel_loop3A_36 : vector<16xf32>
        %parallel_loop3A_38 = arith.constant 5 : i32
        %parallel_loop3A_39 = arith.index_cast %parallel_loop3A_38 : i32 to index
        %parallel_loop3A_40 = arith.index_cast %parallel_loop3A_13 : i32 to index
        %parallel_loop3A_41 = tpu.vector_load %arg4[%parallel_loop3A_39, %parallel_loop3A_40] {strides = array<i32>} : memref<32x3200xf32, #tpu.memory_space<vmem>>, vector<16xf32>,
        %parallel_loop3A_42 = arith.addf %parallel_loop3A_37, %parallel_loop3A_41 : vector<16xf32>
        %parallel_loop3A_43 = arith.constant 6 : i32
        %parallel_loop3A_44 = arith.index_cast %parallel_loop3A_43 : i32 to index
        %parallel_loop3A_45 = arith.index_cast %parallel_loop3A_13 : i32 to index
        %parallel_loop3A_46 = tpu.vector_load %arg4[%parallel_loop3A_44, %parallel_loop3A_45] {strides = array<i32>} : memref<32x3200xf32, #tpu.memory_space<vmem>>, vector<16xf32>,
        %parallel_loop3A_47 = arith.addf %parallel_loop3A_42, %parallel_loop3A_46 : vector<16xf32>
        %parallel_loop3A_48 = arith.constant 7 : i32
        %parallel_loop3A_49 = arith.index_cast %parallel_loop3A_48 : i32 to index
        %parallel_loop3A_50 = arith.index_cast %parallel_loop3A_13 : i32 to index
        %parallel_loop3A_51 = tpu.vector_load %arg4[%parallel_loop3A_49, %parallel_loop3A_50] {strides = array<i32>} : memref<32x3200xf32, #tpu.memory_space<vmem>>, vector<16xf32>,
        %parallel_loop3A_52 = arith.addf %parallel_loop3A_47, %parallel_loop3A_51 : vector<16xf32>
        %parallel_loop3A_53 = arith.constant 8 : i32
        %parallel_loop3A_54 = arith.index_cast %parallel_loop3A_53 : i32 to index
        %parallel_loop3A_55 = arith.index_cast %parallel_loop3A_13 : i32 to index
        %parallel_loop3A_56 = tpu.vector_load %arg4[%parallel_loop3A_54, %parallel_loop3A_55] {strides = array<i32>} : memref<32x3200xf32, #tpu.memory_space<vmem>>, vector<16xf32>,
        %parallel_loop3A_57 = arith.addf %parallel_loop3A_52, %parallel_loop3A_56 : vector<16xf32>
        %parallel_loop3A_58 = arith.constant 9 : i32
        %parallel_loop3A_59 = arith.index_cast %parallel_loop3A_58 : i32 to index
        %parallel_loop3A_60 = arith.index_cast %parallel_loop3A_13 : i32 to index
        %parallel_loop3A_61 = tpu.vector_load %arg4[%parallel_loop3A_59, %parallel_loop3A_60] {strides = array<i32>} : memref<32x3200xf32, #tpu.memory_space<vmem>>, vector<16xf32>,
        %parallel_loop3A_62 = arith.addf %parallel_loop3A_57, %parallel_loop3A_61 : vector<16xf32>
        %parallel_loop3A_63 = arith.constant 10 : i32
        %parallel_loop3A_64 = arith.index_cast %parallel_loop3A_63 : i32 to index
        %parallel_loop3A_65 = arith.index_cast %parallel_loop3A_13 : i32 to index
        %parallel_loop3A_66 = tpu.vector_load %arg4[%parallel_loop3A_64, %parallel_loop3A_65] {strides = array<i32>} : memref<32x3200xf32, #tpu.memory_space<vmem>>, vector<16xf32>,
        %parallel_loop3A_67 = arith.addf %parallel_loop3A_62, %parallel_loop3A_66 : vector<16xf32>
        %parallel_loop3A_68 = arith.constant 11 : i32
        %parallel_loop3A_69 = arith.index_cast %parallel_loop3A_68 : i32 to index
        %parallel_loop3A_70 = arith.index_cast %parallel_loop3A_13 : i32 to index
        %parallel_loop3A_71 = tpu.vector_load %arg4[%parallel_loop3A_69, %parallel_loop3A_70] {strides = array<i32>} : memref<32x3200xf32, #tpu.memory_space<vmem>>, vector<16xf32>,
        %parallel_loop3A_72 = arith.addf %parallel_loop3A_67, %parallel_loop3A_71 : vector<16xf32>
        %parallel_loop3A_73 = arith.constant 12 : i32
        %parallel_loop3A_74 = arith.index_cast %parallel_loop3A_73 : i32 to index
        %parallel_loop3A_75 = arith.index_cast %parallel_loop3A_13 : i32 to index
        %parallel_loop3A_76 = tpu.vector_load %arg4[%parallel_loop3A_74, %parallel_loop3A_75] {strides = array<i32>} : memref<32x3200xf32, #tpu.memory_space<vmem>>, vector<16xf32>,
        %parallel_loop3A_77 = arith.addf %parallel_loop3A_72, %parallel_loop3A_76 : vector<16xf32>
        %parallel_loop3A_78 = arith.constant 13 : i32
        %parallel_loop3A_79 = arith.index_cast %parallel_loop3A_78 : i32 to index
        %parallel_loop3A_80 = arith.index_cast %parallel_loop3A_13 : i32 to index
        %parallel_loop3A_81 = tpu.vector_load %arg4[%parallel_loop3A_79, %parallel_loop3A_80] {strides = array<i32>} : memref<32x3200xf32, #tpu.memory_space<vmem>>, vector<16xf32>,
        %parallel_loop3A_82 = arith.addf %parallel_loop3A_77, %parallel_loop3A_81 : vector<16xf32>
        %parallel_loop3A_83 = arith.constant 14 : i32
        %parallel_loop3A_84 = arith.index_cast %parallel_loop3A_83 : i32 to index
        %parallel_loop3A_85 = arith.index_cast %parallel_loop3A_13 : i32 to index
        %parallel_loop3A_86 = tpu.vector_load %arg4[%parallel_loop3A_84, %parallel_loop3A_85] {strides = array<i32>} : memref<32x3200xf32, #tpu.memory_space<vmem>>, vector<16xf32>,
        %parallel_loop3A_87 = arith.addf %parallel_loop3A_82, %parallel_loop3A_86 : vector<16xf32>
        %parallel_loop3A_88 = arith.constant 15 : i32
        %parallel_loop3A_89 = arith.index_cast %parallel_loop3A_88 : i32 to index
        %parallel_loop3A_90 = arith.index_cast %parallel_loop3A_13 : i32 to index
        %parallel_loop3A_91 = tpu.vector_load %arg4[%parallel_loop3A_89, %parallel_loop3A_90] {strides = array<i32>} : memref<32x3200xf32, #tpu.memory_space<vmem>>, vector<16xf32>,
        %parallel_loop3A_92 = arith.addf %parallel_loop3A_87, %parallel_loop3A_91 : vector<16xf32>
        %parallel_loop3A_93 = arith.constant 16 : i32
        %parallel_loop3A_94 = arith.index_cast %parallel_loop3A_93 : i32 to index
        %parallel_loop3A_95 = arith.index_cast %parallel_loop3A_13 : i32 to index
        %parallel_loop3A_96 = tpu.vector_load %arg4[%parallel_loop3A_94, %parallel_loop3A_95] {strides = array<i32>} : memref<32x3200xf32, #tpu.memory_space<vmem>>, vector<16xf32>,
        %parallel_loop3A_97 = arith.addf %parallel_loop3A_92, %parallel_loop3A_96 : vector<16xf32>
        %parallel_loop3A_98 = arith.constant 17 : i32
        %parallel_loop3A_99 = arith.index_cast %parallel_loop3A_98 : i32 to index
        %parallel_loop3A_100 = arith.index_cast %parallel_loop3A_13 : i32 to index
        %parallel_loop3A_101 = tpu.vector_load %arg4[%parallel_loop3A_99, %parallel_loop3A_100] {strides = array<i32>} : memref<32x3200xf32, #tpu.memory_space<vmem>>, vector<16xf32>,
        %parallel_loop3A_102 = arith.addf %parallel_loop3A_97, %parallel_loop3A_101 : vector<16xf32>
        %parallel_loop3A_103 = arith.constant 18 : i32
        %parallel_loop3A_104 = arith.index_cast %parallel_loop3A_103 : i32 to index
        %parallel_loop3A_105 = arith.index_cast %parallel_loop3A_13 : i32 to index
        %parallel_loop3A_106 = tpu.vector_load %arg4[%parallel_loop3A_104, %parallel_loop3A_105] {strides = array<i32>} : memref<32x3200xf32, #tpu.memory_space<vmem>>, vector<16xf32>,
        %parallel_loop3A_107 = arith.addf %parallel_loop3A_102, %parallel_loop3A_106 : vector<16xf32>
        %parallel_loop3A_108 = arith.constant 19 : i32
        %parallel_loop3A_109 = arith.index_cast %parallel_loop3A_108 : i32 to index
        %parallel_loop3A_110 = arith.index_cast %parallel_loop3A_13 : i32 to index
        %parallel_loop3A_111 = tpu.vector_load %arg4[%parallel_loop3A_109, %parallel_loop3A_110] {strides = array<i32>} : memref<32x3200xf32, #tpu.memory_space<vmem>>, vector<16xf32>,
        %parallel_loop3A_112 = arith.addf %parallel_loop3A_107, %parallel_loop3A_111 : vector<16xf32>
        %parallel_loop3A_113 = arith.constant 20 : i32
        %parallel_loop3A_114 = arith.index_cast %parallel_loop3A_113 : i32 to index
        %parallel_loop3A_115 = arith.index_cast %parallel_loop3A_13 : i32 to index
        %parallel_loop3A_116 = tpu.vector_load %arg4[%parallel_loop3A_114, %parallel_loop3A_115] {strides = array<i32>} : memref<32x3200xf32, #tpu.memory_space<vmem>>, vector<16xf32>,
        %parallel_loop3A_117 = arith.addf %parallel_loop3A_112, %parallel_loop3A_116 : vector<16xf32>
        %parallel_loop3A_118 = arith.constant 21 : i32
        %parallel_loop3A_119 = arith.index_cast %parallel_loop3A_118 : i32 to index
        %parallel_loop3A_120 = arith.index_cast %parallel_loop3A_13 : i32 to index
        %parallel_loop3A_121 = tpu.vector_load %arg4[%parallel_loop3A_119, %parallel_loop3A_120] {strides = array<i32>} : memref<32x3200xf32, #tpu.memory_space<vmem>>, vector<16xf32>,
        %parallel_loop3A_122 = arith.addf %parallel_loop3A_117, %parallel_loop3A_121 : vector<16xf32>
        %parallel_loop3A_123 = arith.constant 22 : i32
        %parallel_loop3A_124 = arith.index_cast %parallel_loop3A_123 : i32 to index
        %parallel_loop3A_125 = arith.index_cast %parallel_loop3A_13 : i32 to index
        %parallel_loop3A_126 = tpu.vector_load %arg4[%parallel_loop3A_124, %parallel_loop3A_125] {strides = array<i32>} : memref<32x3200xf32, #tpu.memory_space<vmem>>, vector<16xf32>,
        %parallel_loop3A_127 = arith.addf %parallel_loop3A_122, %parallel_loop3A_126 : vector<16xf32>
        %parallel_loop3A_128 = arith.constant 23 : i32
        %parallel_loop3A_129 = arith.index_cast %parallel_loop3A_128 : i32 to index
        %parallel_loop3A_130 = arith.index_cast %parallel_loop3A_13 : i32 to index
        %parallel_loop3A_131 = tpu.vector_load %arg4[%parallel_loop3A_129, %parallel_loop3A_130] {strides = array<i32>} : memref<32x3200xf32, #tpu.memory_space<vmem>>, vector<16xf32>,
        %parallel_loop3A_132 = arith.addf %parallel_loop3A_127, %parallel_loop3A_131 : vector<16xf32>
        %parallel_loop3A_133 = arith.constant 24 : i32
        %parallel_loop3A_134 = arith.index_cast %parallel_loop3A_133 : i32 to index
        %parallel_loop3A_135 = arith.index_cast %parallel_loop3A_13 : i32 to index
        %parallel_loop3A_136 = tpu.vector_load %arg4[%parallel_loop3A_134, %parallel_loop3A_135] {strides = array<i32>} : memref<32x3200xf32, #tpu.memory_space<vmem>>, vector<16xf32>,
        %parallel_loop3A_137 = arith.addf %parallel_loop3A_132, %parallel_loop3A_136 : vector<16xf32>
        %parallel_loop3A_138 = arith.constant 25 : i32
        %parallel_loop3A_139 = arith.index_cast %parallel_loop3A_138 : i32 to index
        %parallel_loop3A_140 = arith.index_cast %parallel_loop3A_13 : i32 to index
        %parallel_loop3A_141 = tpu.vector_load %arg4[%parallel_loop3A_139, %parallel_loop3A_140] {strides = array<i32>} : memref<32x3200xf32, #tpu.memory_space<vmem>>, vector<16xf32>,
        %parallel_loop3A_142 = arith.addf %parallel_loop3A_137, %parallel_loop3A_141 : vector<16xf32>
        %parallel_loop3A_143 = arith.constant 26 : i32
        %parallel_loop3A_144 = arith.index_cast %parallel_loop3A_143 : i32 to index
        %parallel_loop3A_145 = arith.index_cast %parallel_loop3A_13 : i32 to index
        %parallel_loop3A_146 = tpu.vector_load %arg4[%parallel_loop3A_144, %parallel_loop3A_145] {strides = array<i32>} : memref<32x3200xf32, #tpu.memory_space<vmem>>, vector<16xf32>,
        %parallel_loop3A_147 = arith.addf %parallel_loop3A_142, %parallel_loop3A_146 : vector<16xf32>
        %parallel_loop3A_148 = arith.constant 27 : i32
        %parallel_loop3A_149 = arith.index_cast %parallel_loop3A_148 : i32 to index
        %parallel_loop3A_150 = arith.index_cast %parallel_loop3A_13 : i32 to index
        %parallel_loop3A_151 = tpu.vector_load %arg4[%parallel_loop3A_149, %parallel_loop3A_150] {strides = array<i32>} : memref<32x3200xf32, #tpu.memory_space<vmem>>, vector<16xf32>,
        %parallel_loop3A_152 = arith.addf %parallel_loop3A_147, %parallel_loop3A_151 : vector<16xf32>
        %parallel_loop3A_153 = arith.constant 28 : i32
        %parallel_loop3A_154 = arith.index_cast %parallel_loop3A_153 : i32 to index
        %parallel_loop3A_155 = arith.index_cast %parallel_loop3A_13 : i32 to index
        %parallel_loop3A_156 = tpu.vector_load %arg4[%parallel_loop3A_154, %parallel_loop3A_155] {strides = array<i32>} : memref<32x3200xf32, #tpu.memory_space<vmem>>, vector<16xf32>,
        %parallel_loop3A_157 = arith.addf %parallel_loop3A_152, %parallel_loop3A_156 : vector<16xf32>
        %parallel_loop3A_158 = arith.constant 29 : i32
        %parallel_loop3A_159 = arith.index_cast %parallel_loop3A_158 : i32 to index
        %parallel_loop3A_160 = arith.index_cast %parallel_loop3A_13 : i32 to index
        %parallel_loop3A_161 = tpu.vector_load %arg4[%parallel_loop3A_159, %parallel_loop3A_160] {strides = array<i32>} : memref<32x3200xf32, #tpu.memory_space<vmem>>, vector<16xf32>,
        %parallel_loop3A_162 = arith.addf %parallel_loop3A_157, %parallel_loop3A_161 : vector<16xf32>
        %parallel_loop3A_163 = arith.constant 30 : i32
        %parallel_loop3A_164 = arith.index_cast %parallel_loop3A_163 : i32 to index
        %parallel_loop3A_165 = arith.index_cast %parallel_loop3A_13 : i32 to index
        %parallel_loop3A_166 = tpu.vector_load %arg4[%parallel_loop3A_164, %parallel_loop3A_165] {strides = array<i32>} : memref<32x3200xf32, #tpu.memory_space<vmem>>, vector<16xf32>,
        %parallel_loop3A_167 = arith.addf %parallel_loop3A_162, %parallel_loop3A_166 : vector<16xf32>
        %parallel_loop3A_168 = arith.constant 31 : i32
        %parallel_loop3A_169 = arith.index_cast %parallel_loop3A_168 : i32 to index
        %parallel_loop3A_170 = arith.index_cast %parallel_loop3A_13 : i32 to index
        %parallel_loop3A_171 = tpu.vector_load %arg4[%parallel_loop3A_169, %parallel_loop3A_170] {strides = array<i32>} : memref<32x3200xf32, #tpu.memory_space<vmem>>, vector<16xf32>,
        %parallel_loop3A_172 = arith.addf %parallel_loop3A_167, %parallel_loop3A_171 : vector<16xf32>
        %parallel_loop3A_173 = arith.index_cast %parallel_loop3A_13 : i32 to index
        %parallel_loop3A_174 = tpu.vector_load %arg5[%parallel_loop3A_173] {strides = array<i32>} : memref<3200xf32, #tpu.memory_space<vmem>>, vector<16xf32>,
        tpu.vector_store %arg5[%parallel_loop3A_173], %parallel_loop3A_172 {strides = array<i32>} : memref<3200xf32, #tpu.memory_space<vmem>>, vector<16xf32>,
      } {sc.loop_unroll_factor = 2 : i64, sc.parallel_access}
      "tpu.region"() ({
        %run_scoped3A = tpu.sem_alloc : memref<!tpu.dma_semaphore, #tpu.memory_space<semaphore_mem>>
        %dma_start3A = arith.constant 0 : i32
        %dma_start3A_11 = tpu.memref_slice %arg5[%dma_start3A] : memref<3200xf32, #tpu.memory_space<vmem>> -> memref<1152xf32, #tpu.memory_space<vmem>>
        %dma_start3A_12 = tpu.memref_slice %arg3[%mul3A_2] : memref<100352xf32, #tpu.memory_space<hbm>> -> memref<1152xf32, #tpu.memory_space<hbm>>
        %dma_start3A_13 = tpu.memref_slice %arg3[%mul3A_2] : memref<100352xf32, #tpu.memory_space<hbm>> -> memref<1152xf32, #tpu.memory_space<hbm>>
        %dma_start3A_14 = arith.constant 0 : i32
        %dma_start3A_15 = tpu.memref_slice %arg5[%dma_start3A_14] : memref<3200xf32, #tpu.memory_space<vmem>> -> memref<1152xf32, #tpu.memory_space<vmem>>
        tpu.enqueue_dma source(%dma_start3A_15 : memref<1152xf32, #tpu.memory_space<vmem>>) target(%dma_start3A_13 : memref<1152xf32, #tpu.memory_space<hbm>>) target_semaphore(%run_scoped3A : memref<!tpu.dma_semaphore, #tpu.memory_space<semaphore_mem>>)
        %dma_wait3A = arith.constant 0 : i32
        %dma_wait3A_16 = tpu.memref_slice %arg5[%dma_wait3A] : memref<3200xf32, #tpu.memory_space<vmem>> -> memref<1152xf32, #tpu.memory_space<vmem>>
        %dma_wait3A_17 = tpu.memref_slice %arg3[%mul3A_2] : memref<100352xf32, #tpu.memory_space<hbm>> -> memref<1152xf32, #tpu.memory_space<hbm>>
        %dma_wait3A_18 = tpu.memref_slice %arg3[%mul3A_2] : memref<100352xf32, #tpu.memory_space<hbm>> -> memref<1152xf32, #tpu.memory_space<hbm>>
        %dma_wait3A_19 = arith.constant 0 : i32
        %dma_wait3A_20 = tpu.memref_slice %arg5[%dma_wait3A_19] : memref<3200xf32, #tpu.memory_space<vmem>> -> memref<1152xf32, #tpu.memory_space<vmem>>
        tpu.wait_dma2 semaphore(%run_scoped3A : memref<!tpu.dma_semaphore, #tpu.memory_space<semaphore_mem>>) src(%dma_wait3A_20 : memref<1152xf32, #tpu.memory_space<vmem>>) dst(%dma_wait3A_18 : memref<1152xf32, #tpu.memory_space<hbm>>)
        tpu.yield
      }) : () -> ()
    } else {
    }
    return
  }
}

#map = affine_map<(d0, d1) -> (0, 0)>
module attributes {stable_mosaic.version = 14 : i64} {
  func.func @_sc_hist_body(%arg0: i32, %arg1: i32, %arg2: memref<2x6400000xi32, #tpu.memory_space<hbm>>, %arg3: memref<32x100352xf32, #tpu.memory_space<hbm>>, %arg4: memref<2x3200xi32, #tpu.memory_space<vmem>>, %arg5: memref<2x3200xi32, #tpu.memory_space<vmem>>, %arg6: memref<2x3200xi32, #tpu.memory_space<vmem>>, %arg7: memref<2x3200xi32, #tpu.memory_space<vmem>>, %arg8: memref<100352xf32, #tpu.memory_space<vmem>>, %arg9: memref<!tpu.dma_semaphore, #tpu.memory_space<semaphore_mem>>, %arg10: memref<!tpu.dma_semaphore, #tpu.memory_space<semaphore_mem>>, %arg11: memref<!tpu.dma_semaphore, #tpu.memory_space<semaphore_mem>>, %arg12: memref<!tpu.dma_semaphore, #tpu.memory_space<semaphore_mem>>) attributes {dimension_semantics = [#tpu.dimension_semantics<core_parallel>, #tpu.dimension_semantics<subcore_parallel>], iteration_bounds = array<i64: 2, 16>, scalar_prefetch = 0 : i64, scratch_operands = 9 : i64, tpu.core_type = #tpu.core_type<sc_vector_subcore>, window_params = [{transform_indices = #map}, {transform_indices = #map}]} {
    %mul3A = arith.constant 2 : i32
    %mul3A_0 = arith.muli %arg1, %mul3A : i32
    %add3A = arith.addi %mul3A_0, %arg0 : i32
    %broadcast_in_dim3A = arith.constant 0.000000e+00 : f32
    %broadcast_in_dim3A_1 = vector.broadcast %broadcast_in_dim3A : f32 to vector<16xf32>
    %broadcast_in_dim3A_2 = arith.constant 1.000000e+00 : f32
    %broadcast_in_dim3A_3 = vector.broadcast %broadcast_in_dim3A_2 : f32 to vector<16xf32>
    %add3A_4 = arith.constant 0 : i32
    %add3A_5 = arith.addi %add3A_4, %add3A : i32
    %min3A = arith.constant 1999 : i32
    %min3A_6 = arith.minsi %add3A_5, %min3A : i32
    %mul3A_7 = arith.constant 3200 : i32
    %mul3A_8 = arith.muli %min3A_6, %mul3A_7 : i32
    %multiple_of3A = tpu.assume_multiple %mul3A_8, 3200 : i32
    %dma_start3A = arith.constant 0 : i32
    %dma_start3A_9 = tpu.memref_slice %arg2[%dma_start3A, %multiple_of3A] : memref<2x6400000xi32, #tpu.memory_space<hbm>> -> memref<2x3200xi32, #tpu.memory_space<hbm>>
    %dma_start3A_10 = arith.constant 0 : i32
    %dma_start3A_11 = tpu.memref_slice %arg2[%dma_start3A_10, %multiple_of3A] : memref<2x6400000xi32, #tpu.memory_space<hbm>> -> memref<2x3200xi32, #tpu.memory_space<hbm>>
    tpu.enqueue_dma source(%dma_start3A_11 : memref<2x3200xi32, #tpu.memory_space<hbm>>) target(%arg4 : memref<2x3200xi32, #tpu.memory_space<vmem>>) target_semaphore(%arg9 : memref<!tpu.dma_semaphore, #tpu.memory_space<semaphore_mem>>)
    %add3A_12 = arith.constant 32 : i32
    %add3A_13 = arith.addi %add3A_12, %add3A : i32
    %min3A_14 = arith.constant 1999 : i32
    %min3A_15 = arith.minsi %add3A_13, %min3A_14 : i32
    %mul3A_16 = arith.constant 3200 : i32
    %mul3A_17 = arith.muli %min3A_15, %mul3A_16 : i32
    %multiple_of3A_18 = tpu.assume_multiple %mul3A_17, 3200 : i32
    %dma_start3A_19 = arith.constant 0 : i32
    %dma_start3A_20 = tpu.memref_slice %arg2[%dma_start3A_19, %multiple_of3A_18] : memref<2x6400000xi32, #tpu.memory_space<hbm>> -> memref<2x3200xi32, #tpu.memory_space<hbm>>
    %dma_start3A_21 = arith.constant 0 : i32
    %dma_start3A_22 = tpu.memref_slice %arg2[%dma_start3A_21, %multiple_of3A_18] : memref<2x6400000xi32, #tpu.memory_space<hbm>> -> memref<2x3200xi32, #tpu.memory_space<hbm>>
    tpu.enqueue_dma source(%dma_start3A_22 : memref<2x3200xi32, #tpu.memory_space<hbm>>) target(%arg5 : memref<2x3200xi32, #tpu.memory_space<vmem>>) target_semaphore(%arg10 : memref<!tpu.dma_semaphore, #tpu.memory_space<semaphore_mem>>)
    %add3A_23 = arith.constant 64 : i32
    %add3A_24 = arith.addi %add3A_23, %add3A : i32
    %min3A_25 = arith.constant 1999 : i32
    %min3A_26 = arith.minsi %add3A_24, %min3A_25 : i32
    %mul3A_27 = arith.constant 3200 : i32
    %mul3A_28 = arith.muli %min3A_26, %mul3A_27 : i32
    %multiple_of3A_29 = tpu.assume_multiple %mul3A_28, 3200 : i32
    %dma_start3A_30 = arith.constant 0 : i32
    %dma_start3A_31 = tpu.memref_slice %arg2[%dma_start3A_30, %multiple_of3A_29] : memref<2x6400000xi32, #tpu.memory_space<hbm>> -> memref<2x3200xi32, #tpu.memory_space<hbm>>
    %dma_start3A_32 = arith.constant 0 : i32
    %dma_start3A_33 = tpu.memref_slice %arg2[%dma_start3A_32, %multiple_of3A_29] : memref<2x6400000xi32, #tpu.memory_space<hbm>> -> memref<2x3200xi32, #tpu.memory_space<hbm>>
    tpu.enqueue_dma source(%dma_start3A_33 : memref<2x3200xi32, #tpu.memory_space<hbm>>) target(%arg6 : memref<2x3200xi32, #tpu.memory_space<vmem>>) target_semaphore(%arg11 : memref<!tpu.dma_semaphore, #tpu.memory_space<semaphore_mem>>)
    %add3A_34 = arith.constant 96 : i32
    %add3A_35 = arith.addi %add3A_34, %add3A : i32
    %min3A_36 = arith.constant 1999 : i32
    %min3A_37 = arith.minsi %add3A_35, %min3A_36 : i32
    %mul3A_38 = arith.constant 3200 : i32
    %mul3A_39 = arith.muli %min3A_37, %mul3A_38 : i32
    %multiple_of3A_40 = tpu.assume_multiple %mul3A_39, 3200 : i32
    %dma_start3A_41 = arith.constant 0 : i32
    %dma_start3A_42 = tpu.memref_slice %arg2[%dma_start3A_41, %multiple_of3A_40] : memref<2x6400000xi32, #tpu.memory_space<hbm>> -> memref<2x3200xi32, #tpu.memory_space<hbm>>
    %dma_start3A_43 = arith.constant 0 : i32
    %dma_start3A_44 = tpu.memref_slice %arg2[%dma_start3A_43, %multiple_of3A_40] : memref<2x6400000xi32, #tpu.memory_space<hbm>> -> memref<2x3200xi32, #tpu.memory_space<hbm>>
    tpu.enqueue_dma source(%dma_start3A_44 : memref<2x3200xi32, #tpu.memory_space<hbm>>) target(%arg7 : memref<2x3200xi32, #tpu.memory_space<vmem>>) target_semaphore(%arg12 : memref<!tpu.dma_semaphore, #tpu.memory_space<semaphore_mem>>)
    %parallel_loop3A = arith.constant 0 : i32
    %parallel_loop3A_45 = arith.constant 6272 : i32
    %parallel_loop3A_46 = arith.constant 1 : i32
    scf.for %parallel_loop3A_52 = %parallel_loop3A to %parallel_loop3A_45 step %parallel_loop3A_46  : i32 {
      %parallel_loop3A_53 = arith.constant 16 : i32
      %parallel_loop3A_54 = arith.muli %parallel_loop3A_52, %parallel_loop3A_53 : i32
      %parallel_loop3A_55 = arith.index_cast %parallel_loop3A_54 : i32 to index
      %parallel_loop3A_56 = tpu.vector_load %arg8[%parallel_loop3A_55] {strides = array<i32>} : memref<100352xf32, #tpu.memory_space<vmem>>, vector<16xf32>,
      tpu.vector_store %arg8[%parallel_loop3A_55], %broadcast_in_dim3A_1 {strides = array<i32>} : memref<100352xf32, #tpu.memory_space<vmem>>, vector<16xf32>,
    } {sc.loop_unroll_factor = 8 : i64, sc.parallel_access}
    %scan3A = arith.constant 0 : i32
    %scan3A_47 = arith.constant 0 : i32
    %scan3A_48 = arith.constant 16 : i32
    %scan3A_49 = arith.addi %scan3A_47, %scan3A_48 : i32
    %scan3A_50 = arith.constant 1 : i32
    scf.for %scan3A_52 = %scan3A_47 to %scan3A_49 step %scan3A_50  : i32 {
      %mul3A_53 = arith.constant 4 : i32
      %mul3A_54 = arith.muli %mul3A_53, %scan3A_52 : i32
      %add3A_55 = arith.constant 0 : i32
      %add3A_56 = arith.addi %mul3A_54, %add3A_55 : i32
      %dma_wait3A = arith.constant 0 : i32
      %dma_wait3A_57 = arith.constant 0 : i32
      %dma_wait3A_58 = tpu.memref_slice %arg2[%dma_wait3A, %dma_wait3A_57] : memref<2x6400000xi32, #tpu.memory_space<hbm>> -> memref<2x3200xi32, #tpu.memory_space<hbm>>
      %dma_wait3A_59 = arith.constant 0 : i32
      %dma_wait3A_60 = arith.constant 0 : i32
      %dma_wait3A_61 = tpu.memref_slice %arg2[%dma_wait3A_59, %dma_wait3A_60] : memref<2x6400000xi32, #tpu.memory_space<hbm>> -> memref<2x3200xi32, #tpu.memory_space<hbm>>
      tpu.wait_dma2 semaphore(%arg9 : memref<!tpu.dma_semaphore, #tpu.memory_space<semaphore_mem>>) src(%dma_wait3A_61 : memref<2x3200xi32, #tpu.memory_space<hbm>>) dst(%arg4 : memref<2x3200xi32, #tpu.memory_space<vmem>>)
      %mul3A_62 = arith.constant 32 : i32
      %mul3A_63 = arith.muli %add3A_56, %mul3A_62 : i32
      %add3A_64 = arith.addi %mul3A_63, %add3A : i32
      %lt3A = arith.constant 2000 : i32
      %lt3A_65 = arith.cmpi slt, %add3A_64, %lt3A : i32
      %broadcast_in_dim3A_66 = vector.broadcast %lt3A_65 : i1 to vector<16xi1>
      %parallel_loop3A_67 = arith.constant 0 : i32
      %parallel_loop3A_68 = arith.constant 200 : i32
      %parallel_loop3A_69 = arith.constant 1 : i32
      scf.for %parallel_loop3A_147 = %parallel_loop3A_67 to %parallel_loop3A_68 step %parallel_loop3A_69  : i32 {
        %parallel_loop3A_148 = arith.constant 16 : i32
        %parallel_loop3A_149 = arith.muli %parallel_loop3A_147, %parallel_loop3A_148 : i32
        %parallel_loop3A_150 = arith.constant 1 : i32
        %parallel_loop3A_151 = arith.index_cast %parallel_loop3A_150 : i32 to index
        %parallel_loop3A_152 = arith.index_cast %parallel_loop3A_149 : i32 to index
        %parallel_loop3A_153 = tpu.vector_load %arg4[%parallel_loop3A_151, %parallel_loop3A_152] {strides = array<i32>} : memref<2x3200xi32, #tpu.memory_space<vmem>>, vector<16xi32>,
        tpu.vector_store_idx %arg8[%parallel_loop3A_153], %broadcast_in_dim3A_3 masked %broadcast_in_dim3A_66 {add = true} : memref<100352xf32, #tpu.memory_space<vmem>>[vector<16xi32>], vector<16xf32>, vector<16xi1>
      } {sc.loop_unroll_factor = 10 : i64, sc.parallel_access}
      %add3A_70 = arith.constant 4 : i32
      %add3A_71 = arith.addi %add3A_56, %add3A_70 : i32
      %lt3A_72 = arith.constant 64 : i32
      %lt3A_73 = arith.cmpi slt, %add3A_71, %lt3A_72 : i32
      %convert_element_type3A = arith.extui %lt3A_73 : i1 to i32
      %cond3A = arith.constant 0 : i32
      %cond3A_74 = arith.cmpi ne, %convert_element_type3A, %cond3A : i32
      scf.if %cond3A_74 {
        %add3A_147 = arith.constant 4 : i32
        %add3A_148 = arith.addi %add3A_56, %add3A_147 : i32
        %mul3A_149 = arith.constant 32 : i32
        %mul3A_150 = arith.muli %add3A_148, %mul3A_149 : i32
        %add3A_151 = arith.addi %mul3A_150, %add3A : i32
        %min3A_152 = arith.constant 1999 : i32
        %min3A_153 = arith.minsi %add3A_151, %min3A_152 : i32
        %mul3A_154 = arith.constant 3200 : i32
        %mul3A_155 = arith.muli %min3A_153, %mul3A_154 : i32
        %multiple_of3A_156 = tpu.assume_multiple %mul3A_155, 3200 : i32
        %dma_start3A_157 = arith.constant 0 : i32
        %dma_start3A_158 = tpu.memref_slice %arg2[%dma_start3A_157, %multiple_of3A_156] : memref<2x6400000xi32, #tpu.memory_space<hbm>> -> memref<2x3200xi32, #tpu.memory_space<hbm>>
        %dma_start3A_159 = arith.constant 0 : i32
        %dma_start3A_160 = tpu.memref_slice %arg2[%dma_start3A_159, %multiple_of3A_156] : memref<2x6400000xi32, #tpu.memory_space<hbm>> -> memref<2x3200xi32, #tpu.memory_space<hbm>>
        tpu.enqueue_dma source(%dma_start3A_160 : memref<2x3200xi32, #tpu.memory_space<hbm>>) target(%arg4 : memref<2x3200xi32, #tpu.memory_space<vmem>>) target_semaphore(%arg9 : memref<!tpu.dma_semaphore, #tpu.memory_space<semaphore_mem>>)
      } else {
      }
      %add3A_75 = arith.constant 1 : i32
      %add3A_76 = arith.addi %mul3A_54, %add3A_75 : i32
      %dma_wait3A_77 = arith.constant 0 : i32
      %dma_wait3A_78 = arith.constant 0 : i32
      %dma_wait3A_79 = tpu.memref_slice %arg2[%dma_wait3A_77, %dma_wait3A_78] : memref<2x6400000xi32, #tpu.memory_space<hbm>> -> memref<2x3200xi32, #tpu.memory_space<hbm>>
      %dma_wait3A_80 = arith.constant 0 : i32
      %dma_wait3A_81 = arith.constant 0 : i32
      %dma_wait3A_82 = tpu.memref_slice %arg2[%dma_wait3A_80, %dma_wait3A_81] : memref<2x6400000xi32, #tpu.memory_space<hbm>> -> memref<2x3200xi32, #tpu.memory_space<hbm>>
      tpu.wait_dma2 semaphore(%arg10 : memref<!tpu.dma_semaphore, #tpu.memory_space<semaphore_mem>>) src(%dma_wait3A_82 : memref<2x3200xi32, #tpu.memory_space<hbm>>) dst(%arg5 : memref<2x3200xi32, #tpu.memory_space<vmem>>)
      %mul3A_83 = arith.constant 32 : i32
      %mul3A_84 = arith.muli %add3A_76, %mul3A_83 : i32
      %add3A_85 = arith.addi %mul3A_84, %add3A : i32
      %lt3A_86 = arith.constant 2000 : i32
      %lt3A_87 = arith.cmpi slt, %add3A_85, %lt3A_86 : i32
      %broadcast_in_dim3A_88 = vector.broadcast %lt3A_87 : i1 to vector<16xi1>
      %parallel_loop3A_89 = arith.constant 0 : i32
      %parallel_loop3A_90 = arith.constant 200 : i32
      %parallel_loop3A_91 = arith.constant 1 : i32
      scf.for %parallel_loop3A_147 = %parallel_loop3A_89 to %parallel_loop3A_90 step %parallel_loop3A_91  : i32 {
        %parallel_loop3A_148 = arith.constant 16 : i32
        %parallel_loop3A_149 = arith.muli %parallel_loop3A_147, %parallel_loop3A_148 : i32
        %parallel_loop3A_150 = arith.constant 1 : i32
        %parallel_loop3A_151 = arith.index_cast %parallel_loop3A_150 : i32 to index
        %parallel_loop3A_152 = arith.index_cast %parallel_loop3A_149 : i32 to index
        %parallel_loop3A_153 = tpu.vector_load %arg5[%parallel_loop3A_151, %parallel_loop3A_152] {strides = array<i32>} : memref<2x3200xi32, #tpu.memory_space<vmem>>, vector<16xi32>,
        tpu.vector_store_idx %arg8[%parallel_loop3A_153], %broadcast_in_dim3A_3 masked %broadcast_in_dim3A_88 {add = true} : memref<100352xf32, #tpu.memory_space<vmem>>[vector<16xi32>], vector<16xf32>, vector<16xi1>
      } {sc.loop_unroll_factor = 10 : i64, sc.parallel_access}
      %add3A_92 = arith.constant 4 : i32
      %add3A_93 = arith.addi %add3A_76, %add3A_92 : i32
      %lt3A_94 = arith.constant 64 : i32
      %lt3A_95 = arith.cmpi slt, %add3A_93, %lt3A_94 : i32
      %convert_element_type3A_96 = arith.extui %lt3A_95 : i1 to i32
      %cond3A_97 = arith.constant 0 : i32
      %cond3A_98 = arith.cmpi ne, %convert_element_type3A_96, %cond3A_97 : i32
      scf.if %cond3A_98 {
        %add3A_147 = arith.constant 4 : i32
        %add3A_148 = arith.addi %add3A_76, %add3A_147 : i32
        %mul3A_149 = arith.constant 32 : i32
        %mul3A_150 = arith.muli %add3A_148, %mul3A_149 : i32
        %add3A_151 = arith.addi %mul3A_150, %add3A : i32
        %min3A_152 = arith.constant 1999 : i32
        %min3A_153 = arith.minsi %add3A_151, %min3A_152 : i32
        %mul3A_154 = arith.constant 3200 : i32
        %mul3A_155 = arith.muli %min3A_153, %mul3A_154 : i32
        %multiple_of3A_156 = tpu.assume_multiple %mul3A_155, 3200 : i32
        %dma_start3A_157 = arith.constant 0 : i32
        %dma_start3A_158 = tpu.memref_slice %arg2[%dma_start3A_157, %multiple_of3A_156] : memref<2x6400000xi32, #tpu.memory_space<hbm>> -> memref<2x3200xi32, #tpu.memory_space<hbm>>
        %dma_start3A_159 = arith.constant 0 : i32
        %dma_start3A_160 = tpu.memref_slice %arg2[%dma_start3A_159, %multiple_of3A_156] : memref<2x6400000xi32, #tpu.memory_space<hbm>> -> memref<2x3200xi32, #tpu.memory_space<hbm>>
        tpu.enqueue_dma source(%dma_start3A_160 : memref<2x3200xi32, #tpu.memory_space<hbm>>) target(%arg5 : memref<2x3200xi32, #tpu.memory_space<vmem>>) target_semaphore(%arg10 : memref<!tpu.dma_semaphore, #tpu.memory_space<semaphore_mem>>)
      } else {
      }
      %add3A_99 = arith.constant 2 : i32
      %add3A_100 = arith.addi %mul3A_54, %add3A_99 : i32
      %dma_wait3A_101 = arith.constant 0 : i32
      %dma_wait3A_102 = arith.constant 0 : i32
      %dma_wait3A_103 = tpu.memref_slice %arg2[%dma_wait3A_101, %dma_wait3A_102] : memref<2x6400000xi32, #tpu.memory_space<hbm>> -> memref<2x3200xi32, #tpu.memory_space<hbm>>
      %dma_wait3A_104 = arith.constant 0 : i32
      %dma_wait3A_105 = arith.constant 0 : i32
      %dma_wait3A_106 = tpu.memref_slice %arg2[%dma_wait3A_104, %dma_wait3A_105] : memref<2x6400000xi32, #tpu.memory_space<hbm>> -> memref<2x3200xi32, #tpu.memory_space<hbm>>
      tpu.wait_dma2 semaphore(%arg11 : memref<!tpu.dma_semaphore, #tpu.memory_space<semaphore_mem>>) src(%dma_wait3A_106 : memref<2x3200xi32, #tpu.memory_space<hbm>>) dst(%arg6 : memref<2x3200xi32, #tpu.memory_space<vmem>>)
      %mul3A_107 = arith.constant 32 : i32
      %mul3A_108 = arith.muli %add3A_100, %mul3A_107 : i32
      %add3A_109 = arith.addi %mul3A_108, %add3A : i32
      %lt3A_110 = arith.constant 2000 : i32
      %lt3A_111 = arith.cmpi slt, %add3A_109, %lt3A_110 : i32
      %broadcast_in_dim3A_112 = vector.broadcast %lt3A_111 : i1 to vector<16xi1>
      %parallel_loop3A_113 = arith.constant 0 : i32
      %parallel_loop3A_114 = arith.constant 200 : i32
      %parallel_loop3A_115 = arith.constant 1 : i32
      scf.for %parallel_loop3A_147 = %parallel_loop3A_113 to %parallel_loop3A_114 step %parallel_loop3A_115  : i32 {
        %parallel_loop3A_148 = arith.constant 16 : i32
        %parallel_loop3A_149 = arith.muli %parallel_loop3A_147, %parallel_loop3A_148 : i32
        %parallel_loop3A_150 = arith.constant 1 : i32
        %parallel_loop3A_151 = arith.index_cast %parallel_loop3A_150 : i32 to index
        %parallel_loop3A_152 = arith.index_cast %parallel_loop3A_149 : i32 to index
        %parallel_loop3A_153 = tpu.vector_load %arg6[%parallel_loop3A_151, %parallel_loop3A_152] {strides = array<i32>} : memref<2x3200xi32, #tpu.memory_space<vmem>>, vector<16xi32>,
        tpu.vector_store_idx %arg8[%parallel_loop3A_153], %broadcast_in_dim3A_3 masked %broadcast_in_dim3A_112 {add = true} : memref<100352xf32, #tpu.memory_space<vmem>>[vector<16xi32>], vector<16xf32>, vector<16xi1>
      } {sc.loop_unroll_factor = 10 : i64, sc.parallel_access}
      %add3A_116 = arith.constant 4 : i32
      %add3A_117 = arith.addi %add3A_100, %add3A_116 : i32
      %lt3A_118 = arith.constant 64 : i32
      %lt3A_119 = arith.cmpi slt, %add3A_117, %lt3A_118 : i32
      %convert_element_type3A_120 = arith.extui %lt3A_119 : i1 to i32
      %cond3A_121 = arith.constant 0 : i32
      %cond3A_122 = arith.cmpi ne, %convert_element_type3A_120, %cond3A_121 : i32
      scf.if %cond3A_122 {
        %add3A_147 = arith.constant 4 : i32
        %add3A_148 = arith.addi %add3A_100, %add3A_147 : i32
        %mul3A_149 = arith.constant 32 : i32
        %mul3A_150 = arith.muli %add3A_148, %mul3A_149 : i32
        %add3A_151 = arith.addi %mul3A_150, %add3A : i32
        %min3A_152 = arith.constant 1999 : i32
        %min3A_153 = arith.minsi %add3A_151, %min3A_152 : i32
        %mul3A_154 = arith.constant 3200 : i32
        %mul3A_155 = arith.muli %min3A_153, %mul3A_154 : i32
        %multiple_of3A_156 = tpu.assume_multiple %mul3A_155, 3200 : i32
        %dma_start3A_157 = arith.constant 0 : i32
        %dma_start3A_158 = tpu.memref_slice %arg2[%dma_start3A_157, %multiple_of3A_156] : memref<2x6400000xi32, #tpu.memory_space<hbm>> -> memref<2x3200xi32, #tpu.memory_space<hbm>>
        %dma_start3A_159 = arith.constant 0 : i32
        %dma_start3A_160 = tpu.memref_slice %arg2[%dma_start3A_159, %multiple_of3A_156] : memref<2x6400000xi32, #tpu.memory_space<hbm>> -> memref<2x3200xi32, #tpu.memory_space<hbm>>
        tpu.enqueue_dma source(%dma_start3A_160 : memref<2x3200xi32, #tpu.memory_space<hbm>>) target(%arg6 : memref<2x3200xi32, #tpu.memory_space<vmem>>) target_semaphore(%arg11 : memref<!tpu.dma_semaphore, #tpu.memory_space<semaphore_mem>>)
      } else {
      }
      %add3A_123 = arith.constant 3 : i32
      %add3A_124 = arith.addi %mul3A_54, %add3A_123 : i32
      %dma_wait3A_125 = arith.constant 0 : i32
      %dma_wait3A_126 = arith.constant 0 : i32
      %dma_wait3A_127 = tpu.memref_slice %arg2[%dma_wait3A_125, %dma_wait3A_126] : memref<2x6400000xi32, #tpu.memory_space<hbm>> -> memref<2x3200xi32, #tpu.memory_space<hbm>>
      %dma_wait3A_128 = arith.constant 0 : i32
      %dma_wait3A_129 = arith.constant 0 : i32
      %dma_wait3A_130 = tpu.memref_slice %arg2[%dma_wait3A_128, %dma_wait3A_129] : memref<2x6400000xi32, #tpu.memory_space<hbm>> -> memref<2x3200xi32, #tpu.memory_space<hbm>>
      tpu.wait_dma2 semaphore(%arg12 : memref<!tpu.dma_semaphore, #tpu.memory_space<semaphore_mem>>) src(%dma_wait3A_130 : memref<2x3200xi32, #tpu.memory_space<hbm>>) dst(%arg7 : memref<2x3200xi32, #tpu.memory_space<vmem>>)
      %mul3A_131 = arith.constant 32 : i32
      %mul3A_132 = arith.muli %add3A_124, %mul3A_131 : i32
      %add3A_133 = arith.addi %mul3A_132, %add3A : i32
      %lt3A_134 = arith.constant 2000 : i32
      %lt3A_135 = arith.cmpi slt, %add3A_133, %lt3A_134 : i32
      %broadcast_in_dim3A_136 = vector.broadcast %lt3A_135 : i1 to vector<16xi1>
      %parallel_loop3A_137 = arith.constant 0 : i32
      %parallel_loop3A_138 = arith.constant 200 : i32
      %parallel_loop3A_139 = arith.constant 1 : i32
      scf.for %parallel_loop3A_147 = %parallel_loop3A_137 to %parallel_loop3A_138 step %parallel_loop3A_139  : i32 {
        %parallel_loop3A_148 = arith.constant 16 : i32
        %parallel_loop3A_149 = arith.muli %parallel_loop3A_147, %parallel_loop3A_148 : i32
        %parallel_loop3A_150 = arith.constant 1 : i32
        %parallel_loop3A_151 = arith.index_cast %parallel_loop3A_150 : i32 to index
        %parallel_loop3A_152 = arith.index_cast %parallel_loop3A_149 : i32 to index
        %parallel_loop3A_153 = tpu.vector_load %arg7[%parallel_loop3A_151, %parallel_loop3A_152] {strides = array<i32>} : memref<2x3200xi32, #tpu.memory_space<vmem>>, vector<16xi32>,
        tpu.vector_store_idx %arg8[%parallel_loop3A_153], %broadcast_in_dim3A_3 masked %broadcast_in_dim3A_136 {add = true} : memref<100352xf32, #tpu.memory_space<vmem>>[vector<16xi32>], vector<16xf32>, vector<16xi1>
      } {sc.loop_unroll_factor = 10 : i64, sc.parallel_access}
      %add3A_140 = arith.constant 4 : i32
      %add3A_141 = arith.addi %add3A_124, %add3A_140 : i32
      %lt3A_142 = arith.constant 64 : i32
      %lt3A_143 = arith.cmpi slt, %add3A_141, %lt3A_142 : i32
      %convert_element_type3A_144 = arith.extui %lt3A_143 : i1 to i32
      %cond3A_145 = arith.constant 0 : i32
      %cond3A_146 = arith.cmpi ne, %convert_element_type3A_144, %cond3A_145 : i32
      scf.if %cond3A_146 {
        %add3A_147 = arith.constant 4 : i32
        %add3A_148 = arith.addi %add3A_124, %add3A_147 : i32
        %mul3A_149 = arith.constant 32 : i32
        %mul3A_150 = arith.muli %add3A_148, %mul3A_149 : i32
        %add3A_151 = arith.addi %mul3A_150, %add3A : i32
        %min3A_152 = arith.constant 1999 : i32
        %min3A_153 = arith.minsi %add3A_151, %min3A_152 : i32
        %mul3A_154 = arith.constant 3200 : i32
        %mul3A_155 = arith.muli %min3A_153, %mul3A_154 : i32
        %multiple_of3A_156 = tpu.assume_multiple %mul3A_155, 3200 : i32
        %dma_start3A_157 = arith.constant 0 : i32
        %dma_start3A_158 = tpu.memref_slice %arg2[%dma_start3A_157, %multiple_of3A_156] : memref<2x6400000xi32, #tpu.memory_space<hbm>> -> memref<2x3200xi32, #tpu.memory_space<hbm>>
        %dma_start3A_159 = arith.constant 0 : i32
        %dma_start3A_160 = tpu.memref_slice %arg2[%dma_start3A_159, %multiple_of3A_156] : memref<2x6400000xi32, #tpu.memory_space<hbm>> -> memref<2x3200xi32, #tpu.memory_space<hbm>>
        tpu.enqueue_dma source(%dma_start3A_160 : memref<2x3200xi32, #tpu.memory_space<hbm>>) target(%arg7 : memref<2x3200xi32, #tpu.memory_space<vmem>>) target_semaphore(%arg12 : memref<!tpu.dma_semaphore, #tpu.memory_space<semaphore_mem>>)
      } else {
      }
    }
    %scan3A_51 = arith.constant 16 : i32
    "tpu.region"() ({
      %run_scoped3A = tpu.sem_alloc : memref<!tpu.dma_semaphore, #tpu.memory_space<semaphore_mem>>
      %dma_start3A_52 = arith.constant 0 : i32
      %dma_start3A_53 = tpu.memref_slice %arg3[%add3A, %dma_start3A_52] : memref<32x100352xf32, #tpu.memory_space<hbm>> -> memref<1x100352xf32, #tpu.memory_space<hbm>>
      %dma_start3A_54 = tpu.memref_squeeze %dma_start3A_53 : memref<1x100352xf32, #tpu.memory_space<hbm>> -> memref<100352xf32, #tpu.memory_space<hbm>>
      %dma_start3A_55 = arith.constant 0 : i32
      %dma_start3A_56 = tpu.memref_slice %arg3[%add3A, %dma_start3A_55] : memref<32x100352xf32, #tpu.memory_space<hbm>> -> memref<1x100352xf32, #tpu.memory_space<hbm>>
      %dma_start3A_57 = tpu.memref_squeeze %dma_start3A_56 : memref<1x100352xf32, #tpu.memory_space<hbm>> -> memref<100352xf32, #tpu.memory_space<hbm>>
      tpu.enqueue_dma source(%arg8 : memref<100352xf32, #tpu.memory_space<vmem>>) target(%dma_start3A_57 : memref<100352xf32, #tpu.memory_space<hbm>>) target_semaphore(%run_scoped3A : memref<!tpu.dma_semaphore, #tpu.memory_space<semaphore_mem>>)
      %dma_wait3A = arith.constant 0 : i32
      %dma_wait3A_58 = tpu.memref_slice %arg3[%add3A, %dma_wait3A] : memref<32x100352xf32, #tpu.memory_space<hbm>> -> memref<1x100352xf32, #tpu.memory_space<hbm>>
      %dma_wait3A_59 = tpu.memref_squeeze %dma_wait3A_58 : memref<1x100352xf32, #tpu.memory_space<hbm>> -> memref<100352xf32, #tpu.memory_space<hbm>>
      %dma_wait3A_60 = arith.constant 0 : i32
      %dma_wait3A_61 = tpu.memref_slice %arg3[%add3A, %dma_wait3A_60] : memref<32x100352xf32, #tpu.memory_space<hbm>> -> memref<1x100352xf32, #tpu.memory_space<hbm>>
      %dma_wait3A_62 = tpu.memref_squeeze %dma_wait3A_61 : memref<1x100352xf32, #tpu.memory_space<hbm>> -> memref<100352xf32, #tpu.memory_space<hbm>>
      tpu.wait_dma2 semaphore(%run_scoped3A : memref<!tpu.dma_semaphore, #tpu.memory_space<semaphore_mem>>) src(%arg8 : memref<100352xf32, #tpu.memory_space<vmem>>) dst(%dma_wait3A_62 : memref<100352xf32, #tpu.memory_space<hbm>>)
      tpu.yield
    }) : () -> ()
    return
  }
}

</mosaic_0001>

<sc_bundles>
// kernel: kernel.4.cloned.1.call-start
scs
__scs_entry_jumppad:
0x0: {  	(pc) =	sbr.rel $0x88, $3  }
0x1: {  	(tag) =	ssettag $0x0;
	lr =	simm.s32 $0x1  }
0x2: {  	[smem:$0x3FA0] =	sst lr;
	_ =	strace $0xD0000000  }
0x3: {  	_ = 	snop  }
0x4: {  	_ = 	snop  }
0x5: {  	_ = 	snop  }
0x6: {  	_ = 	snop  }
0x7: {  	_ = 	snop  }
__scs_overlays_trampoline_lowered:
0x8: {  	[smem:$0x3FAF] =	sst s0  }
0x9: {  	[smem:$0x3FB0] =	sst s1  }
0xa: {  	[smem:$0x3FB1] =	sst s2  }
0xb: {  	[smem:$0x3FB2] =	sst s3  }
0xc: {  	[smem:$0x3FB3] =	sst s4  }
0xd: {  	[smem:$0x3FB4] =	sst s5  }
0xe: {  	[smem:$0x3FB5] =	sst s6  }
0xf: {  	[smem:$0x3FB6] =	sst s7  }
0x10: {  	[smem:$0x3FB7] =	sst s8  }
0x11: {  	[smem:$0x3FB8] =	sst s9;
	s0 =	simm.s32 @!p0 $0x0  }
0x12: {  	s1 =	sld [smem:$0x3F9E];
	s0 =	simm.s32 @p0 $0x1  }
0x13: {  	[smem:$0x3FB9] =	sst s0;
	s0 =	simm.s32 @!p1 $0x0  }
0x14: {  	s2 =	sld [smem:$0x3F9D];
	s0 =	simm.s32 @p1 $0x1  }
0x15: {  	[smem:$0x3FBA] =	sst s0;
	s0 =	simm.s32 @!p2 $0x0  }
0x16: {  	s3 =	sld [smem:$0x3FDB];
	s0 =	simm.s32 @p2 $0x1  }
0x17: {  	s4 =	simm.s32 $0x1BF5;
	[smem:$0x3FBC] =	sst s0  }
0x18: {  	s0 =	sld [smem:$0x3F9F];
	_ =	swait.ge [sflag:s4], $0x0  }
0x19: {  	s7 =	sld [smem:$0x3FA0]  }
0x1a: {  	s8 =	sadd.s32 $0xFFFFE003, lr  }
0x1b: {  	s9 =	sadd.s32 $0xFFFFFEF7, lr;
	s5 =	simm.s32 $0xFFFFFFFF;
	p2 =	slt.u32 s8, $0xFFFFF086  }
0x1c: {  	p1 =	slt.u32 s9, $0xF7A;
	s5 =	simm.s32 @!p2 $0x0  }
0x1d: {  	s5 =	simm.s32 @p1 $0x1;
	p0 =	seq.s32 s7, s2  }
0x1e: {  	s7 =	smul.u32 @!p0 $0xF7A, s2;
	p2 =	seq.s32 @!p0 s5, $0x0  }
0x1f: {  	s9 =	smul.u32 $0xF7A, s1;
	s8 =	simm.s32 @!p0 $0x1BF5;
	p2 =	por !p2, p0  }
0x20: {  	[sflag:s8] =	ssyncset.s32 @!p0 $0xFFFFF086;
	s6 =	sadd.s32 @!p0 s3, s7;
	s7 =	simm.s32 @!p0 $0x108  }
0x21: {  	s3 =	sadd.s32 s3, s9;
	s6 =	sadd.s32 @!p0 $0x88, s6;
	s7 =	simm.s32 @p2 $0x1082  }
0x22: {  	[simem:s7], [sflag:s8] =	dma.local @!p0 [hbm:s6], $0xF7A  }
0x23: {  	s9 =	sor.u32 $0xD0000000, s2;
	s6 =	simm.s32 $0x108;
	_ =	swait.ge @!p0 [sflag:s8], $0x0  }
0x24: {  	s3 =	sadd.s32 $0x88, s3;
	s6 =	simm.s32 @!p1 $0x1082;
	[sflag:s4] =	ssyncset.s32 $0xFFFFF086  }
0x25: {  	[simem:s6], [sflag:s4] =	dma.local [hbm:s3], $0xF7A  }
0x26: {  	[smem:$0x3FA0] =	sst s1;
	(tag) =	ssettag s2;
	_ =	strace s9  }
0x27: {  	s1 =	sld [smem:$0x3FB0]  }
0x28: {  	s2 =	sld [smem:$0x3FB1]  }
0x29: {  	s4 =	sld [smem:$0x3FB3]  }
0x2a: {  	p0 =	seq.s32 s5, $0x0;
	s5 =	sld [smem:$0x3FB4]  }
0x2b: {  	s6 =	sld [smem:$0x3FB5]  }
0x2c: {  	s7 =	sld [smem:$0x3FB6]  }
0x2d: {  	s3 =	simm.s32 $0x108;
	s8 =	sld [smem:$0x3FB7]  }
0x2e: {  	s3 =	simm.s32 @!p0 $0x1082;
	s9 =	sld [smem:$0x3FB8]  }
0x2f: {  	lr =	sadd.s32 s0, s3;
	s0 =	sld [smem:$0x3FAF]  }
0x30: {  	s3 =	sld [smem:$0x3FB2]  }
0x31: {  	[smem:$0x3FBB] =	sst s10  }
0x32: {  	s10 =	sld [smem:$0x3FB9];
	_ =	sdelay $0x3  }
0x33: {  	p0 =	seq.s32 s10, $0x1;
	s10 =	sld [smem:$0x3FBB];
	_ =	sdelay $0x3  }
0x34: {  	[smem:$0x3FBB] =	sst s10  }
0x35: {  	s10 =	sld [smem:$0x3FBA];
	_ =	sdelay $0x3  }
0x36: {  	p1 =	seq.s32 s10, $0x1;
	s10 =	sld [smem:$0x3FBB];
	_ =	sdelay $0x3  }
0x37: {  	[smem:$0x3FBB] =	sst s10  }
0x38: {  	s10 =	sld [smem:$0x3FBC]  }
0x39: {  	_ = 	snop;
	(pc) =	sbr.ind lr, $3  }
0x3a: {  	_ = 	snop  }
0x3b: {  	_ = 	snop  }
0x3c: {  	p2 =	seq.s32 s10, $0x1;
	s10 =	sld [smem:$0x3FBB]  }
0x3d: {  	_ =	shalt  }
0x3e: {  	_ =	shalt  }
0x3f: {  	_ =	shalt  }
0x40: {  	_ =	shalt  }
0x41: {  	_ =	shalt  }
0x42: {  	_ =	shalt  }
0x43: {  	_ =	shalt  }
0x44: {  	_ =	shalt  }
0x45: {  	_ =	shalt  }
0x46: {  	_ =	shalt  }
0x47: {  	_ =	shalt  }
0x48: {  	_ =	shalt  }
0x49: {  	_ =	shalt  }
0x4a: {  	_ =	shalt  }
0x4b: {  	_ =	shalt  }
0x4c: {  	_ =	shalt  }
0x4d: {  	_ =	shalt  }
0x4e: {  	_ =	shalt  }
0x4f: {  	_ =	shalt  }
0x50: {  	_ =	shalt  }
0x51: {  	_ =	shalt  }
0x52: {  	_ =	shalt  }
0x53: {  	_ =	shalt  }
0x54: {  	_ =	shalt  }
0x55: {  	_ =	shalt  }
0x56: {  	_ =	shalt  }
0x57: {  	_ =	shalt  }
0x58: {  	_ =	shalt  }
0x59: {  	_ =	shalt  }
0x5a: {  	_ =	shalt  }
0x5b: {  	_ =	shalt  }
0x5c: {  	_ =	shalt  }
0x5d: {  	_ =	shalt  }
0x5e: {  	_ =	shalt  }
0x5f: {  	_ =	shalt  }
0x60: {  	_ =	shalt  }
0x61: {  	_ =	shalt  }
0x62: {  	_ =	shalt  }
0x63: {  	_ =	shalt  }
0x64: {  	_ =	shalt  }
0x65: {  	_ =	shalt  }
0x66: {  	_ =	shalt  }
0x67: {  	_ =	shalt  }
0x68: {  	_ =	shalt  }
0x69: {  	_ =	shalt  }
0x6a: {  	_ =	shalt  }
0x6b: {  	_ =	shalt  }
0x6c: {  	_ =	shalt  }
0x6d: {  	_ =	shalt  }
0x6e: {  	_ =	shalt  }
0x6f: {  	_ =	shalt  }
0x70: {  	_ =	shalt  }
0x71: {  	_ =	shalt  }
0x72: {  	_ =	shalt  }
0x73: {  	_ =	shalt  }
0x74: {  	_ =	shalt  }
0x75: {  	_ =	shalt  }
0x76: {  	_ =	shalt  }
0x77: {  	_ =	shalt  }
0x78: {  	_ =	shalt  }
0x79: {  	_ =	shalt  }
0x7a: {  	_ =	shalt  }
0x7b: {  	_ =	shalt  }
0x7c: {  	_ =	shalt  }
0x7d: {  	_ =	shalt  }
0x7e: {  	_ =	shalt  }
0x7f: {  	_ =	shalt  }
0x80: {  	_ =	shalt  }
0x81: {  	_ =	shalt  }
0x82: {  	_ =	shalt  }
0x83: {  	_ =	shalt  }
0x84: {  	_ =	shalt  }
0x85: {  	_ =	shalt  }
0x86: {  	_ =	shalt  }
0x87: {  	_ =	shalt  }
.Lfunc_end0:
.L_simem_size_0:
called_computation_lowered:
.L_overlay_start_0:
0x88: {  	s2 =	sld [smem:$0x3FD9]  }
0x89: {  	s3 =	sld [smem:$0x3FFE];
	_ =	sdelay $0x1  }
0x8a: {  	s1 =	srdreg.scid  }
0x8b: {  	s0 =	sand.u32 $0x1, s1  }
0x8c: {  	s17 =	sshll.u32 s0, $0xA;
	s2 =	sadd.s32 s3, s2  }
0x8d: {  	s2 =	sadd.s32 s2, s17  }
0x8e: {  	[smem:$0x3FC7] =	sst s2  }
0x8f: {  	_ = 	snop  }
0x90: {  	s2 =	sld [smem:$0x3FC9];
	(tm) =	ssettm $0x1  }
0x91: {  	s18 =	sld [smem:$0x3FFB];
	_ =	sdelay $0x3  }
0x92: {  	_ =	strace s18  }
0x93: {  	s3 =	sld [smem:$0x3FFC];
	_ =	sdelay $0x3  }
0x94: {  	_ =	strace s3  }
0x95: {  	s3 =	sld [smem:$0x3FFD];
	_ =	sdelay $0x3  }
0x96: {  	_ =	strace s3  }
0x97: {  	_ =	strace $0x8FFFFFFF  }
0x98: {  	s19 =	sld [smem:$0x3FDB];
	_ =	sdelay $0x1  }
0x99: {  	s4 =	simm.s32 $_scs_section_size  }
0x9a: {  	s5 =	simm.s32 $_size__tile_overlayer_lowered;
	s6 =	simm.s32 $_tile_overlayer_lowered  }
0x9b: {  	s22 =	simm.s32 $0x1BFF;
	s21 =	sshll.u32 s6, $0x1;
	s3 =	sadd.s32 s4, s19  }
0x9c: {  	s7 =	simm.s32 $0x0;
	s20 =	sshll.u32 s5, $0x1;
	s5 =	sadd.s32 s21, s3  }
0x9d: {  	[timem:s7], [sflag:s22] =	dma.local [hbm:s5], s20  }
0x9e: {  	_ =	swait.ge [sflag:s22], s20  }
0x9f: {  	s4 =	ssub.s32 $0x0, s20;
	[sflag:s22] =	ssyncset.done $0x0  }
0xa0: {  	[sflag:s22] =	ssyncadd.s32 s4;
	_ =	sdelay $0x1  }
0xa1: {  	s23 =	simm.s32 $0x1B8B  }
0xa2: {  	_ =	swait.ge [sflag:s23], $0x1  }
0xa3: {  	[sflag:s23] =	ssyncset.done $0x0  }
0xa4: {  	s25 =	simm.s32 $0x1B8E;
	s24 =	sld [smem:$0x3FFE];
	[sflag:s23] =	ssyncadd.s32 $0xFFFFFFFF  }
0xa5: {  	s26 =	simm.s32 $execute0_lowered;
	[smem:$0x3FD2] =	sst s25  }
0xa6: {  	s5 =	sshll.u32 s26, $0x1;
	_ =	strace $0x80000046;
	[dreg:$0x1] =	wrdreg $0xFFFFFFFF  }
0xa7: {  	s28 =	simm.s32 $_size_execute0_lowered;
	s3 =	sadd.s32 s3, s5;
	[dreg:$0x0] =	wrdreg $0x0  }
0xa8: {  	s5 =	sshll.u32 s28, $0x1;
	[dreg:$0x2] =	wrdreg s3  }
0xa9: {  	[dreg:$0x3] =	wrdreg s5  }
0xaa: {  	[dreg:$0x4] =	wrdreg $0xC0  }
0xab: {  	_ =	task [dreg:s7], $0x5FFFF  }
0xac: {  	[dreg:$0x1] =	wrdreg $0xFFFFFFFF  }
0xad: {  	[dreg:$0x0] =	wrdreg $0x60  }
0xae: {  	[dreg:$0x2] =	wrdreg s2  }
0xaf: {  	[dreg:$0x3] =	wrdreg s24  }
0xb0: {  	[dreg:$0x4] =	wrdreg $0x9  }
0xb1: {  	_ =	task.clear_ibuf [dreg:s7], $0x5FFFF;
	_ =	strace $0x90000046  }
0xb2: {  	s29 =	simm.s32 $0x9;
	_ =	strace $0x80000048  }
0xb3: {  	_ =	swait.ge [sflag:s29], $0x1  }
0xb4: {  	[sflag:s29] =	ssyncadd.s32 $0xFFFFFFFF  }
0xb5: {  	_ =	strace $0x90000048  }
0xb6: {  	_ =	sfence  }
0xb7: {  	s30 =	sld [smem:$0x0];
	_ =	sdelay $0x2  }
0xb8: {  	s31 =	sshll.u32 s1, $0xD;
	s1 =	sshrl.u32 s1, $0x2  }
0xb9: {  	s3 =	sand.u32 $0x4000, s31;
	s1 =	sadd.s32 s1, s30  }
0xba: {  	s0 =	sor.u32 s3, s0;
	s1 =	sshll.u32 s1, $0x11  }
0xbb: {  	s0 =	sor.u32 s1, s0  }
0xbc: {  	s0 =	sadd.s32 $0x8F2B, s0  }
0xbd: {  	[sflag:s0] =	ssyncadd.remote.s32 $0x1  }
0xbe: {  	_ =	sfence.sel $0xFFFF  }
0xbf: {  	[dreg:$0x0] =	wrdreg $0xFFFFFFFF;
	(pc) =	sbr.abs _section_cstart, $3  }
0xc0: {  	[dreg:$0x1] =	wrdreg $0xFFFFFFFF  }
0xc1: {  	_ =	task.clear_ibuf [dreg:s7], $0x2FFFF;
	_ =	strace $0x9FFFFFFF  }
0xc2: {  	(tm) =	ssettm $0x7FFFFFFF  }
0xc3: {  	_ =	shalt  }
tec
execute0_lowered:
.L_overlay_start_1:
0x0: {  	(tag) =	ssettag $0x1  }
0x1: {  	s2 =	rddreg [dreg:$0x0];
	s0 =	srdreg.scid  }
0x2: {  	s4 =	stileid.u32;
	s1 =	rddreg [dreg:$0x1];
	s24 =	simm.s32 $0x0  }
0x3: {  	s18 =	simm.s32 $0x1;
	s19 =	simm.s32 $0x6400;
	s20 =	simm.s32 $0x2  }
0x4: {  	s21 =	simm.s32 $0x3;
	s22 =	simm.s32 $0x4;
	s0 =	sand.u32 $0x1, s0  }
0x5: {  	s3 =	sshll.u32 s4, $0x1;
	s5 =	sshrl.u32 s4, $0x2;
	[smem:$0x7FF] =	sst s24  }
0x6: {  	s4 =	simm.s32 $0x0;
	s12 =	sor.u32 s0, s3;
	s5 =	smul.u32 $0xC4000, s5  }
0x7: {  	_ =	strace $0x80000047;
	s0 =	ssub.s32 $0x2, s0;
	s25 =	smul.u32 $0x1900, s12  }
0x8: {  	s6 =	sshll.u32 s12, $0x7;
	s7 =	smul.u32 $0x320, s12;
	s26 =	sshrl.u32 s0, $0x1  }
0x9: {  	s9 =	sor.u32 $0x80, s12;
	s6 =	sand.u32 $0x380, s6;
	s0 =	ssub.s32 s0, s26  }
0xa: {  	s5 =	sor.u32 s5, s6;
	s6 =	sshrl.u32 s25, $0x3;
	s28 =	sadd.s32 s2, s7  }
0xb: {  	s0 =	smax.u32 s0, $0x1;
	[dreg:$0x3] =	wrdreg s28;
	s8 =	sadd.s32 s2, s6  }
.Ltmp0:
0xc: {  	[dreg:$0x8] =	wrdreg s0;
	s29 =	sadd.s32 $0x6400, s8;
	(pc) =	sbr.rel .LBB2_1-.Ltmp0, $4  }
0xd: {  	s5 =	sshrl.u32 s5, $0x3;
	s30 =	sadd.s32 $0xC800, s8;
	[dreg:$0x4] =	wrdreg s29  }
0xe: {  	s1 =	sadd.s32 s5, s1;
	s31 =	sadd.s32 $0x12C00, s8;
	[dreg:$0x5] =	wrdreg s30  }
0xf: {  	s10 =	sor.u32 $0xA0, s12;
	[dreg:$0x6] =	wrdreg s31;
	s1 =	sadd.s32 $0x800, s1  }
0x10: {  	v0 =	vimm.f32 $0.0e+00;
	v1 =	vimm.f32 $1.000000000e+00;
	vm0 =	vmxor vm0, vm0;
	s11 =	sor.u32 $0xC0, s12;
	s12 =	sor.u32 $0xE0, s12;
	[dreg:$0x7] =	wrdreg s1  }
.LBB2_14:
0x11: {  	s0 =	rddreg [dreg:$0x7]  }
0x12: {  	s1 =	simm.s32 $0x80;
	s4 =	simm.s32 $0x400;
	s29 =	simm.s32 $0x5  }
0x13: {  	[hbm4b:s0+s1] =	stream.strided.scatter [tilespmem:s19], [sflag:$0x5], $0x18800, s4, s1, $0x38;
	[tilespmem:$0x1EC00] =	vst v63  }
0x14: {  	_ =	swait.ge [sflag:s29], $0x18800  }
0x15: {  	s30 =	rddreg [dreg:$0x9]  }
0x16: {  	s31 =	rddreg [dreg:$0x8];
	s4 =	sadd.s32 $0x1, s30  }
0x17: {  	p0 =	sne.s32 s4, s31  }
.Ltmp1:
0x18: {  	_ = 	snop;
	(pc) =	sbr.rel @!p0 .LBB2_15-.Ltmp1, $3  }
0x19: {  	_ =	sdelay $0x1  }
0x1a: {  	[sflag:s29] =	ssyncset.done $0x0  }
0x1b: {  	[sflag:s29] =	ssyncadd.s32 $0xFFFE7800  }
.LBB2_1:
0x1c: {  	s0 =	simm.s32 $0x0;
	s1 =	rddreg [dreg:$0x3]  }
0x1d: {  	[tilespmem:s0], [sflag:$0x1] =	stream.linear.gather [hbm4b:s1+s0], $0x1900, $0x38;
	[tilespmem:$0x1EC00] =	vst v63  }
0x1e: {  	s25 =	rddreg [dreg:$0x4];
	s26 =	simm.s32 $0x1900  }
0x1f: {  	[tilespmem:s26], [sflag:$0x2] =	stream.linear.gather [hbm4b:s25+s0], $0x1900, $0x38;
	[tilespmem:$0x1EC00] =	vst v63  }
0x20: {  	s28 =	rddreg [dreg:$0x5];
	s29 =	simm.s32 $0x3200  }
0x21: {  	[tilespmem:s29], [sflag:$0x3] =	stream.linear.gather [hbm4b:s28+s0], $0x1900, $0x38;
	[tilespmem:$0x1EC00] =	vst v63  }
0x22: {  	s30 =	rddreg [dreg:$0x6];
	s31 =	simm.s32 $0x4B00  }
0x23: {  	[tilespmem:s31], [sflag:$0x4] =	stream.linear.gather [hbm4b:s30+s0], $0x1900, $0x38;
	[tilespmem:$0x1EC00] =	vst v63  }
0x24: {  	[dreg:$0x9] =	wrdreg s4;
	s0 =	simm.s32 $0x6440  }
0x25: {  	[tilespmem:s0+$0xFFFFFFC0] =	vst v0  }
0x26: {  	[tilespmem:s0+$0x30] =	vst v0  }
0x27: {  	[tilespmem:s0+$0x20] =	vst v0  }
0x28: {  	[tilespmem:s0+$0x10] =	vst v0  }
0x29: {  	[tilespmem:s0+$0x0] =	vst v0  }
0x2a: {  	[tilespmem:s0+$0xFFFFFFF0] =	vst v0  }
0x2b: {  	s1 =	simm.s32 $0x0;
	[tilespmem:s0+$0xFFFFFFE0] =	vst v0  }
.LBB2_2:
0x2c: {  	s1 =	sadd.s32 $0x8, s1;
	[tilespmem:s0+$0xFFFFFFD0] =	vst v0;
	s0 =	sadd.s32 $0x80, s0  }
0x2d: {  	[tilespmem:s0+$0xFFFFFFC0] =	vst v0;
	p0 =	slt.u32 s1, $0x1878  }
0x2e: {  	[tilespmem:s0+$0x30] =	vst v0  }
.Ltmp2:
0x2f: {  	[tilespmem:s0+$0x20] =	vst v0;
	(pc) =	sbr.rel @p0 .LBB2_2-.Ltmp2, $4  }
0x30: {  	[tilespmem:s0+$0x10] =	vst v0  }
0x31: {  	[tilespmem:s0+$0x0] =	vst v0  }
0x32: {  	[tilespmem:s0+$0xFFFFFFF0] =	vst v0  }
0x33: {  	[tilespmem:s0+$0xFFFFFFE0] =	vst v0  }
0x34: {  	[tilespmem:s0+$0xFFFFFFD0] =	vst v0;
	s29 =	simm.s32 $0x0  }
.LBB2_4:
0x35: {  	_ =	swait.ge [sflag:s18], $0x1900;
	s1 =	simm.s32 $0x90;
	s0 =	simm.s32 $0x120  }
0x36: {  	[sflag:s18] =	ssyncset.done $0x0;
	s15 =	sand.u32 $0x70, s1;
	s0 =	sand.u32 $0x3F00, s0  }
0x37: {  	s26 =	simm.s32 $0x20;
	[sflag:s18] =	ssyncadd.s32 $0xFFFFE700;
	s0 =	sor.u32 s15, s0  }
0x38: {  	s28 =	simm.s32 $0x40;
	s30 =	simm.s32 $0x30;
	s31 =	simm.s32 $0x60;
	v2 =	vld [tilespmem:s0+$0x80]  }
0x39: {  	s23 =	simm.s32 $0x40;
	s16 =	simm.s32 $0x0;
	s4 =	simm.s32 $0x0  }
0x3a: {  	s24 =	simm.s32 $0x80;
	s16 =	sand.u32 $0x60, s16;
	s8 =	sand.u32 $0x1F00, s4  }
0x3b: {  	s5 =	simm.s32 $0x50;
	s6 =	simm.s32 $0xA0;
	s16 =	sor.u32 s16, s8  }
0x3c: {  	s7 =	simm.s32 $0x60;
	s17 =	sand.u32 $0x70, s30;
	s30 =	sand.u32 $0x3F00, s31;
	v8 =	vld [tilespmem:s16+$0x80]  }
0x3d: {  	s23 =	sand.u32 $0x60, s23;
	s24 =	sand.u32 $0x3F00, s24;
	s8 =	sor.u32 s17, s30;
	v9 =	vld [tilespmem:s16+$0x90]  }
0x3e: {  	s13 =	simm.s32 $0x70;
	s14 =	simm.s32 $0xE0;
	s23 =	sor.u32 s23, s24;
	v7 =	vld [tilespmem:s8+$0x80]  }
0x3f: {  	s4 =	simm.s32 $0xC0;
	s15 =	sand.u32 $0x3F00, s28;
	s0 =	sand.u32 $0x60, s26;
	v6 =	vld [tilespmem:s23+$0x80]  }
0x40: {  	s5 =	sand.u32 $0x70, s5;
	s6 =	sand.u32 $0x3F00, s6;
	s0 =	sor.u32 s0, s15;
	[tilespmem:v2+s19+$0x0] =	vst.idx.add.f32.msk $0xffff, v1  }
0x41: {  	s7 =	sand.u32 $0x60, s7;
	s25 =	sand.u32 $0x3F00, s4;
	s5 =	sor.u32 s5, s6;
	v2 =	vld [tilespmem:s0+$0x80]  }
0x42: {  	s26 =	sand.u32 $0x70, s13;
	s7 =	sor.u32 s7, s25;
	v5 =	vld [tilespmem:s5+$0x80];
	s0 =	sand.u32 $0x3F00, s14  }
0x43: {  	s30 =	sshll.u32 s29, $0x7;
	v4 =	vld [tilespmem:s7+$0x80];
	s28 =	sor.u32 s26, s0  }
0x44: {  	s31 =	sor.u32 s3, s30;
	s15 =	simm.s32 $0x140;
	s0 =	simm.s32 $0x0;
	v3 =	vld [tilespmem:s28+$0x80]  }
.LBB2_5:
0x45: {  	s5 =	sadd.s32 $0x120, s15;
	s0 =	sadd.s32 $0xA, s0;
	v10 =	vld [tilespmem:s16+$0x180];
	s1 =	sadd.s32 $0xA0, s1  }
0x46: {  	s6 =	sand.u32 $0x70, s1;
	s5 =	sand.u32 $0x3F00, s5;
	p0 =	slt.u32 s0, $0xBE;
	[tilespmem:v8+s19+$0x0] =	vst.idx.add.f32.msk $0xffff, v1  }
0x47: {  	s8 =	sadd.s32 $0x40, s15;
	s7 =	sadd.s32 $0xFFFFFF90, s1;
	s5 =	sor.u32 s6, s5;
	[tilespmem:v9+s19+$0x0] =	vst.idx.add.f32.msk $0xffff, v1  }
0x48: {  	s13 =	sadd.s32 $0x60, s15;
	s16 =	sadd.s32 $0xFFFFFFB0, s1;
	s6 =	sadd.s32 $0xFFFFFFA0, s1;
	v8 =	vld [tilespmem:s5+$0x80]  }
0x49: {  	s24 =	sadd.s32 $0xA0, s15;
	s23 =	sadd.s32 $0xFFFFFFC0, s1;
	s5 =	sadd.s32 $0x80, s15;
	[tilespmem:v2+s19+$0x0] =	vst.idx.add.f32.msk $0xffff, v1  }
0x4a: {  	s25 =	sadd.s32 $0xC0, s15;
	s14 =	sadd.s32 $0xFFFFFFD0, s1;
	s26 =	sadd.s32 $0xFFFFFFE0, s1;
	[tilespmem:v7+s19+$0x0] =	vst.idx.add.f32.msk $0xffff, v1  }
0x4b: {  	s4 =	sadd.s32 $0xE0, s15;
	s17 =	sadd.s32 $0xFFFFFF70, s1;
	s7 =	sand.u32 $0x60, s7;
	[tilespmem:v6+s19+$0x0] =	vst.idx.add.f32.msk $0xffff, v1  }
0x4c: {  	s8 =	sand.u32 $0x3F00, s8;
	s17 =	sand.u32 $0x60, s17;
	s6 =	sand.u32 $0x70, s6;
	[tilespmem:v5+s19+$0x0] =	vst.idx.add.f32.msk $0xffff, v1  }
0x4d: {  	s13 =	sand.u32 $0x3F00, s13;
	s28 =	sand.u32 $0x60, s16;
	s5 =	sand.u32 $0x3F00, s5;
	[tilespmem:v4+s19+$0x0] =	vst.idx.add.f32.msk $0xffff, v1  }
0x4e: {  	s24 =	sand.u32 $0x3F00, s24;
	s23 =	sand.u32 $0x70, s23;
	s14 =	sand.u32 $0x60, s14;
	[tilespmem:v3+s19+$0x0] =	vst.idx.add.f32.msk $0xffff, v1  }
0x4f: {  	s25 =	sand.u32 $0x3F00, s25;
	s4 =	sand.u32 $0x3F00, s4;
	s26 =	sand.u32 $0x70, s26;
	[tilespmem:v10+s19+$0x0] =	vst.idx.add.f32.msk $0xffff, v1  }
0x50: {  	s16 =	sand.u32 $0x1F00, s15;
	s7 =	sor.u32 s7, s8;
	s6 =	sor.u32 s6, s13;
	[tilespmem:v8+s19+$0x0] =	vst.idx.add.f32.msk $0xffff, v1  }
0x51: {  	s16 =	sor.u32 s17, s16;
	s5 =	sor.u32 s28, s5;
	v2 =	vld [tilespmem:s7+$0x80];
	s7 =	sor.u32 s23, s24  }
0x52: {  	s8 =	sor.u32 s14, s25;
	s4 =	sor.u32 s26, s4;
	v8 =	vld [tilespmem:s16+$0x80]  }
0x53: {  	v9 =	vld [tilespmem:s16+$0x90]  }
.Ltmp3:
0x54: {  	v7 =	vld [tilespmem:s6+$0x80];
	(pc) =	sbr.rel @p0 .LBB2_5-.Ltmp3, $4  }
0x55: {  	v6 =	vld [tilespmem:s5+$0x80]  }
0x56: {  	v5 =	vld [tilespmem:s7+$0x80]  }
0x57: {  	v4 =	vld [tilespmem:s8+$0x80]  }
0x58: {  	s15 =	sadd.s32 $0x140, s15;
	v3 =	vld [tilespmem:s4+$0x80]  }
0x59: {  	_ =	sdelay $0x2  }
0x5a: {  	v10 =	vld [tilespmem:s16+$0x180]  }
0x5b: {  	[tilespmem:v8+s19+$0x0] =	vst.idx.add.f32.msk $0xffff, v1  }
0x5c: {  	[tilespmem:v9+s19+$0x0] =	vst.idx.add.f32.msk $0xffff, v1  }
0x5d: {  	[tilespmem:v2+s19+$0x0] =	vst.idx.add.f32.msk $0xffff, v1  }
0x5e: {  	[tilespmem:v7+s19+$0x0] =	vst.idx.add.f32.msk $0xffff, v1;
	p0 =	seq.s32 s29, $0xF  }
0x5f: {  	[tilespmem:v6+s19+$0x0] =	vst.idx.add.f32.msk $0xffff, v1;
	s0 =	sadd.s32 @!p0 s9, s30  }
0x60: {  	[tilespmem:v5+s19+$0x0] =	vst.idx.add.f32.msk $0xffff, v1;
	s0 =	smin.u32 @!p0 s0, $0x7CF  }
0x61: {  	[tilespmem:v4+s19+$0x0] =	vst.idx.add.f32.msk $0xffff, v1;
	s0 =	smul.u32 @!p0 $0x320, s0  }
0x62: {  	[tilespmem:v3+s19+$0x0] =	vst.idx.add.f32.msk $0xffff, v1  }
0x63: {  	s1 =	simm.s32 @!p0 $0x0;
	s0 =	sadd.s32 @!p0 s2, s0;
	[tilespmem:v10+s19+$0x0] =	vst.idx.add.f32.msk $0xffff, v1  }
0x64: {  	[tilespmem:s1], [sflag:$0x1] =	stream.linear.gather @!p0 [hbm4b:s0+s1], $0x1900, $0x38;
	[tilespmem:$0x1EC00] =	vst v63  }
0x65: {  	s17 =	simm.s32 $0x120;
	s1 =	simm.s32 $0x90;
	_ =	swait.ge [sflag:s20], $0x1900  }
0x66: {  	s0 =	sand.u32 $0x3F00, s17;
	s4 =	sand.u32 $0x70, s1;
	[sflag:s20] =	ssyncset.done $0x0  }
0x67: {  	s0 =	sor.u32 s4, s0;
	[sflag:s20] =	ssyncadd.s32 $0xFFFFE700  }
0x68: {  	s23 =	simm.s32 $0x0;
	s24 =	simm.s32 $0x20;
	v2 =	vld [tilespmem:s0+$0x1980]  }
0x69: {  	s5 =	simm.s32 $0x40;
	s6 =	simm.s32 $0x30;
	s25 =	simm.s32 $0x0  }
0x6a: {  	s26 =	simm.s32 $0xC0;
	s28 =	simm.s32 $0xE0;
	s5 =	sand.u32 $0x3F00, s5  }
0x6b: {  	s16 =	sand.u32 $0x60, s25;
	s4 =	sand.u32 $0x60, s24;
	s0 =	sand.u32 $0x1F00, s23  }
0x6c: {  	s4 =	sor.u32 s4, s5;
	s23 =	simm.s32 $0x70;
	s16 =	sor.u32 s16, s0  }
0x6d: {  	s5 =	sand.u32 $0x3F00, s26;
	s26 =	sand.u32 $0x70, s23;
	s0 =	sand.u32 $0x3F00, s28;
	v8 =	vld [tilespmem:s16+$0x1980]  }
0x6e: {  	s7 =	simm.s32 $0x60;
	s8 =	simm.s32 $0x40;
	v9 =	vld [tilespmem:s16+$0x1990];
	s28 =	sor.u32 s26, s0  }
0x6f: {  	s13 =	simm.s32 $0x80;
	s14 =	simm.s32 $0x50;
	s15 =	simm.s32 $0xA0;
	v3 =	vld [tilespmem:s28+$0x1980]  }
0x70: {  	s6 =	sand.u32 $0x70, s6;
	s7 =	sand.u32 $0x3F00, s7;
	s8 =	sand.u32 $0x60, s8;
	[tilespmem:v2+s19+$0x0] =	vst.idx.add.f32.msk $0xffff, v1  }
0x71: {  	s13 =	sand.u32 $0x3F00, s13;
	s14 =	sand.u32 $0x70, s14;
	v2 =	vld [tilespmem:s4+$0x1980];
	s4 =	sor.u32 s6, s7  }
0x72: {  	s17 =	simm.s32 $0x60;
	s24 =	sand.u32 $0x3F00, s15;
	s7 =	sor.u32 s8, s13;
	v6 =	vld [tilespmem:s4+$0x1980]  }
0x73: {  	s25 =	sand.u32 $0x60, s17;
	s6 =	sor.u32 s14, s24;
	v7 =	vld [tilespmem:s7+$0x1980]  }
0x74: {  	s4 =	sor.u32 s25, s5;
	v5 =	vld [tilespmem:s6+$0x1980]  }
0x75: {  	s15 =	simm.s32 $0x140;
	s0 =	simm.s32 $0x0;
	v4 =	vld [tilespmem:s4+$0x1980]  }
.LBB2_7:
0x76: {  	s4 =	sadd.s32 $0x120, s15;
	s0 =	sadd.s32 $0xA, s0;
	v10 =	vld [tilespmem:s16+$0x1A80];
	s1 =	sadd.s32 $0xA0, s1  }
0x77: {  	s5 =	sand.u32 $0x70, s1;
	s4 =	sand.u32 $0x3F00, s4;
	p1 =	slt.u32 s0, $0xBE;
	[tilespmem:v8+s19+$0x0] =	vst.idx.add.f32.msk $0xffff, v1  }
0x78: {  	s7 =	sadd.s32 $0x40, s15;
	s6 =	sadd.s32 $0xFFFFFF90, s1;
	s4 =	sor.u32 s5, s4;
	[tilespmem:v9+s19+$0x0] =	vst.idx.add.f32.msk $0xffff, v1  }
0x79: {  	s8 =	sadd.s32 $0x60, s15;
	s13 =	sadd.s32 $0xFFFFFFB0, s1;
	s5 =	sadd.s32 $0xFFFFFFA0, s1;
	v8 =	vld [tilespmem:s4+$0x1980]  }
0x7a: {  	s16 =	sadd.s32 $0xA0, s15;
	s14 =	sadd.s32 $0xFFFFFFC0, s1;
	s4 =	sadd.s32 $0x80, s15;
	[tilespmem:v2+s19+$0x0] =	vst.idx.add.f32.msk $0xffff, v1  }
0x7b: {  	s23 =	sadd.s32 $0xC0, s15;
	s17 =	sadd.s32 $0xFFFFFFD0, s1;
	s24 =	sadd.s32 $0xFFFFFFE0, s1;
	[tilespmem:v6+s19+$0x0] =	vst.idx.add.f32.msk $0xffff, v1  }
0x7c: {  	s26 =	sadd.s32 $0xE0, s15;
	s25 =	sadd.s32 $0xFFFFFF70, s1;
	s6 =	sand.u32 $0x60, s6;
	[tilespmem:v7+s19+$0x0] =	vst.idx.add.f32.msk $0xffff, v1  }
0x7d: {  	s7 =	sand.u32 $0x3F00, s7;
	s25 =	sand.u32 $0x60, s25;
	s5 =	sand.u32 $0x70, s5;
	[tilespmem:v5+s19+$0x0] =	vst.idx.add.f32.msk $0xffff, v1  }
0x7e: {  	s8 =	sand.u32 $0x3F00, s8;
	s13 =	sand.u32 $0x60, s13;
	s4 =	sand.u32 $0x3F00, s4;
	[tilespmem:v4+s19+$0x0] =	vst.idx.add.f32.msk $0xffff, v1  }
0x7f: {  	s28 =	sand.u32 $0x3F00, s16;
	s14 =	sand.u32 $0x70, s14;
	s17 =	sand.u32 $0x60, s17;
	[tilespmem:v3+s19+$0x0] =	vst.idx.add.f32.msk $0xffff, v1  }
0x80: {  	s23 =	sand.u32 $0x3F00, s23;
	s26 =	sand.u32 $0x3F00, s26;
	s24 =	sand.u32 $0x70, s24;
	[tilespmem:v10+s19+$0x0] =	vst.idx.add.f32.msk $0xffff, v1  }
0x81: {  	s16 =	sand.u32 $0x1F00, s15;
	s6 =	sor.u32 s6, s7;
	s5 =	sor.u32 s5, s8;
	[tilespmem:v8+s19+$0x0] =	vst.idx.add.f32.msk $0xffff, v1  }
0x82: {  	s16 =	sor.u32 s25, s16;
	s4 =	sor.u32 s13, s4;
	v2 =	vld [tilespmem:s6+$0x1980];
	s6 =	sor.u32 s14, s28  }
0x83: {  	s7 =	sor.u32 s17, s23;
	s8 =	sor.u32 s24, s26;
	v8 =	vld [tilespmem:s16+$0x1980]  }
0x84: {  	v9 =	vld [tilespmem:s16+$0x1990]  }
.Ltmp4:
0x85: {  	v6 =	vld [tilespmem:s5+$0x1980];
	(pc) =	sbr.rel @p1 .LBB2_7-.Ltmp4, $4  }
0x86: {  	v7 =	vld [tilespmem:s4+$0x1980]  }
0x87: {  	v5 =	vld [tilespmem:s6+$0x1980]  }
0x88: {  	v4 =	vld [tilespmem:s7+$0x1980]  }
0x89: {  	s15 =	sadd.s32 $0x140, s15;
	v3 =	vld [tilespmem:s8+$0x1980]  }
0x8a: {  	_ =	sdelay $0x2  }
0x8b: {  	v10 =	vld [tilespmem:s16+$0x1A80]  }
0x8c: {  	[tilespmem:v8+s19+$0x0] =	vst.idx.add.f32.msk $0xffff, v1  }
0x8d: {  	[tilespmem:v9+s19+$0x0] =	vst.idx.add.f32.msk $0xffff, v1  }
0x8e: {  	[tilespmem:v2+s19+$0x0] =	vst.idx.add.f32.msk $0xffff, v1  }
0x8f: {  	[tilespmem:v6+s19+$0x0] =	vst.idx.add.f32.msk $0xffff, v1  }
0x90: {  	s0 =	sadd.s32 @!p0 s10, s30;
	[tilespmem:v7+s19+$0x0] =	vst.idx.add.f32.msk $0xffff, v1  }
0x91: {  	s0 =	smin.u32 @!p0 s0, $0x7CF;
	[tilespmem:v5+s19+$0x0] =	vst.idx.add.f32.msk $0xffff, v1  }
0x92: {  	s0 =	smul.u32 @!p0 $0x320, s0;
	[tilespmem:v4+s19+$0x0] =	vst.idx.add.f32.msk $0xffff, v1  }
0x93: {  	[tilespmem:v3+s19+$0x0] =	vst.idx.add.f32.msk $0xffff, v1  }
0x94: {  	s1 =	simm.s32 @!p0 $0x0;
	s4 =	simm.s32 @!p0 $0x1900;
	s0 =	sadd.s32 @!p0 s2, s0;
	[tilespmem:v10+s19+$0x0] =	vst.idx.add.f32.msk $0xffff, v1  }
0x95: {  	[tilespmem:s4], [sflag:$0x2] =	stream.linear.gather @!p0 [hbm4b:s0+s1], $0x1900, $0x38;
	[tilespmem:$0x1EC00] =	vst v63  }
0x96: {  	s16 =	simm.s32 $0x120;
	s1 =	simm.s32 $0x90;
	_ =	swait.ge [sflag:s21], $0x1900  }
0x97: {  	s0 =	sand.u32 $0x3F00, s16;
	s17 =	sand.u32 $0x70, s1;
	[sflag:s21] =	ssyncset.done $0x0  }
0x98: {  	s0 =	sor.u32 s17, s0;
	[sflag:s21] =	ssyncadd.s32 $0xFFFFE700  }
0x99: {  	p1 =	slt.u32 s31, $0x790;
	s23 =	simm.s32 $0x0;
	s24 =	simm.s32 $0x20;
	v2 =	vld [tilespmem:s0+$0x3280]  }
0x9a: {  	vm1 =	vmmov vm0;
	s5 =	simm.s32 $0x40;
	s6 =	simm.s32 $0x30;
	s25 =	simm.s32 $0x0  }
0x9b: {  	s26 =	simm.s32 $0xC0;
	s28 =	simm.s32 $0xE0;
	vm1 =	vmneg @p1 vm1;
	s5 =	sand.u32 $0x3F00, s5  }
0x9c: {  	s4 =	sand.u32 $0x60, s24;
	s16 =	sand.u32 $0x60, s25;
	s0 =	sand.u32 $0x1F00, s23  }
0x9d: {  	s4 =	sor.u32 s4, s5;
	s23 =	simm.s32 $0x70;
	s16 =	sor.u32 s16, s0  }
0x9e: {  	s5 =	sand.u32 $0x3F00, s26;
	s26 =	sand.u32 $0x70, s23;
	s0 =	sand.u32 $0x3F00, s28;
	v8 =	vld [tilespmem:s16+$0x3280]  }
0x9f: {  	s7 =	simm.s32 $0x60;
	s8 =	simm.s32 $0x40;
	v9 =	vld [tilespmem:s16+$0x3290];
	s28 =	sor.u32 s26, s0  }
0xa0: {  	s13 =	simm.s32 $0x80;
	s14 =	simm.s32 $0x50;
	s15 =	simm.s32 $0xA0;
	v3 =	vld [tilespmem:s28+$0x3280]  }
0xa1: {  	s6 =	sand.u32 $0x70, s6;
	s7 =	sand.u32 $0x3F00, s7;
	s8 =	sand.u32 $0x60, s8;
	[tilespmem:v2+s19+$0x0] =	vst.idx.add.f32.msk vm1, v1  }
0xa2: {  	s13 =	sand.u32 $0x3F00, s13;
	s14 =	sand.u32 $0x70, s14;
	v2 =	vld [tilespmem:s4+$0x3280];
	s4 =	sor.u32 s6, s7  }
0xa3: {  	s24 =	sand.u32 $0x3F00, s15;
	s17 =	simm.s32 $0x60;
	s7 =	sor.u32 s8, s13;
	v6 =	vld [tilespmem:s4+$0x3280]  }
0xa4: {  	s25 =	sand.u32 $0x60, s17;
	s6 =	sor.u32 s14, s24;
	v7 =	vld [tilespmem:s7+$0x3280]  }
0xa5: {  	s4 =	sor.u32 s25, s5;
	v5 =	vld [tilespmem:s6+$0x3280]  }
0xa6: {  	s15 =	simm.s32 $0x140;
	s0 =	simm.s32 $0x0;
	v4 =	vld [tilespmem:s4+$0x3280]  }
.LBB2_9:
0xa7: {  	s4 =	sadd.s32 $0x120, s15;
	s0 =	sadd.s32 $0xA, s0;
	v10 =	vld [tilespmem:s16+$0x3380];
	s1 =	sadd.s32 $0xA0, s1  }
0xa8: {  	s5 =	sand.u32 $0x70, s1;
	s4 =	sand.u32 $0x3F00, s4;
	p1 =	slt.u32 s0, $0xBE;
	[tilespmem:v8+s19+$0x0] =	vst.idx.add.f32.msk vm1, v1  }
0xa9: {  	s7 =	sadd.s32 $0x40, s15;
	s6 =	sadd.s32 $0xFFFFFF90, s1;
	s4 =	sor.u32 s5, s4;
	[tilespmem:v9+s19+$0x0] =	vst.idx.add.f32.msk vm1, v1  }
0xaa: {  	s8 =	sadd.s32 $0x60, s15;
	s13 =	sadd.s32 $0xFFFFFFB0, s1;
	s5 =	sadd.s32 $0xFFFFFFA0, s1;
	v8 =	vld [tilespmem:s4+$0x3280]  }
0xab: {  	s16 =	sadd.s32 $0xA0, s15;
	s14 =	sadd.s32 $0xFFFFFFC0, s1;
	s4 =	sadd.s32 $0x80, s15;
	[tilespmem:v2+s19+$0x0] =	vst.idx.add.f32.msk vm1, v1  }
0xac: {  	s23 =	sadd.s32 $0xC0, s15;
	s17 =	sadd.s32 $0xFFFFFFD0, s1;
	s24 =	sadd.s32 $0xFFFFFFE0, s1;
	[tilespmem:v6+s19+$0x0] =	vst.idx.add.f32.msk vm1, v1  }
0xad: {  	s26 =	sadd.s32 $0xE0, s15;
	s25 =	sadd.s32 $0xFFFFFF70, s1;
	s6 =	sand.u32 $0x60, s6;
	[tilespmem:v7+s19+$0x0] =	vst.idx.add.f32.msk vm1, v1  }
0xae: {  	s7 =	sand.u32 $0x3F00, s7;
	s25 =	sand.u32 $0x60, s25;
	s5 =	sand.u32 $0x70, s5;
	[tilespmem:v5+s19+$0x0] =	vst.idx.add.f32.msk vm1, v1  }
0xaf: {  	s8 =	sand.u32 $0x3F00, s8;
	s13 =	sand.u32 $0x60, s13;
	s4 =	sand.u32 $0x3F00, s4;
	[tilespmem:v4+s19+$0x0] =	vst.idx.add.f32.msk vm1, v1  }
0xb0: {  	s28 =	sand.u32 $0x3F00, s16;
	s14 =	sand.u32 $0x70, s14;
	s17 =	sand.u32 $0x60, s17;
	[tilespmem:v3+s19+$0x0] =	vst.idx.add.f32.msk vm1, v1  }
0xb1: {  	s23 =	sand.u32 $0x3F00, s23;
	s26 =	sand.u32 $0x3F00, s26;
	s24 =	sand.u32 $0x70, s24;
	[tilespmem:v10+s19+$0x0] =	vst.idx.add.f32.msk vm1, v1  }
0xb2: {  	s16 =	sand.u32 $0x1F00, s15;
	s6 =	sor.u32 s6, s7;
	s5 =	sor.u32 s5, s8;
	[tilespmem:v8+s19+$0x0] =	vst.idx.add.f32.msk vm1, v1  }
0xb3: {  	s16 =	sor.u32 s25, s16;
	s4 =	sor.u32 s13, s4;
	v2 =	vld [tilespmem:s6+$0x3280];
	s6 =	sor.u32 s14, s28  }
0xb4: {  	s7 =	sor.u32 s17, s23;
	s8 =	sor.u32 s24, s26;
	v8 =	vld [tilespmem:s16+$0x3280]  }
0xb5: {  	v9 =	vld [tilespmem:s16+$0x3290]  }
.Ltmp5:
0xb6: {  	v6 =	vld [tilespmem:s5+$0x3280];
	(pc) =	sbr.rel @p1 .LBB2_9-.Ltmp5, $4  }
0xb7: {  	v7 =	vld [tilespmem:s4+$0x3280]  }
0xb8: {  	v5 =	vld [tilespmem:s6+$0x3280]  }
0xb9: {  	v4 =	vld [tilespmem:s7+$0x3280]  }
0xba: {  	s15 =	sadd.s32 $0x140, s15;
	v3 =	vld [tilespmem:s8+$0x3280]  }
0xbb: {  	_ =	sdelay $0x3  }
0xbc: {  	v10 =	vld [tilespmem:s16+$0x3380]  }
0xbd: {  	[tilespmem:v8+s19+$0x0] =	vst.idx.add.f32.msk vm1, v1  }
0xbe: {  	[tilespmem:v9+s19+$0x0] =	vst.idx.add.f32.msk vm1, v1  }
0xbf: {  	[tilespmem:v2+s19+$0x0] =	vst.idx.add.f32.msk vm1, v1  }
0xc0: {  	[tilespmem:v6+s19+$0x0] =	vst.idx.add.f32.msk vm1, v1  }
0xc1: {  	s0 =	sadd.s32 @!p0 s11, s30;
	[tilespmem:v7+s19+$0x0] =	vst.idx.add.f32.msk vm1, v1  }
0xc2: {  	s0 =	smin.u32 @!p0 s0, $0x7CF;
	[tilespmem:v5+s19+$0x0] =	vst.idx.add.f32.msk vm1, v1  }
0xc3: {  	s0 =	smul.u32 @!p0 $0x320, s0;
	[tilespmem:v4+s19+$0x0] =	vst.idx.add.f32.msk vm1, v1  }
0xc4: {  	[tilespmem:v3+s19+$0x0] =	vst.idx.add.f32.msk vm1, v1  }
0xc5: {  	s1 =	simm.s32 @!p0 $0x0;
	s4 =	simm.s32 @!p0 $0x3200;
	s0 =	sadd.s32 @!p0 s2, s0;
	[tilespmem:v10+s19+$0x0] =	vst.idx.add.f32.msk vm1, v1  }
0xc6: {  	[tilespmem:s4], [sflag:$0x3] =	stream.linear.gather @!p0 [hbm4b:s0+s1], $0x1900, $0x38;
	[tilespmem:$0x1EC00] =	vst v63  }
0xc7: {  	s17 =	simm.s32 $0x120;
	s1 =	simm.s32 $0x90;
	_ =	swait.ge [sflag:s22], $0x1900  }
0xc8: {  	s0 =	sand.u32 $0x3F00, s17;
	s23 =	sand.u32 $0x70, s1;
	[sflag:s22] =	ssyncset.done $0x0  }
0xc9: {  	s0 =	sor.u32 s23, s0;
	[sflag:s22] =	ssyncadd.s32 $0xFFFFE700  }
0xca: {  	p1 =	slt.u32 s31, $0x770;
	s24 =	simm.s32 $0x0;
	s25 =	simm.s32 $0x20;
	v2 =	vld [tilespmem:s0+$0x4B80]  }
0xcb: {  	s5 =	simm.s32 $0x40;
	s6 =	simm.s32 $0x30;
	s26 =	simm.s32 $0x0;
	vm1 =	vmmov vm0  }
0xcc: {  	s28 =	simm.s32 $0xC0;
	s31 =	simm.s32 $0xE0;
	s5 =	sand.u32 $0x3F00, s5;
	vm1 =	vmneg @p1 vm1  }
0xcd: {  	s16 =	sand.u32 $0x60, s26;
	s4 =	sand.u32 $0x60, s25;
	s0 =	sand.u32 $0x1F00, s24  }
0xce: {  	s4 =	sor.u32 s4, s5;
	s23 =	simm.s32 $0x70;
	s16 =	sor.u32 s16, s0  }
0xcf: {  	s5 =	sand.u32 $0x3F00, s28;
	s28 =	sand.u32 $0x70, s23;
	s0 =	sand.u32 $0x3F00, s31;
	v8 =	vld [tilespmem:s16+$0x4B80]  }
0xd0: {  	s7 =	simm.s32 $0x60;
	s8 =	simm.s32 $0x40;
	v9 =	vld [tilespmem:s16+$0x4B90];
	s31 =	sor.u32 s28, s0  }
0xd1: {  	s13 =	simm.s32 $0x80;
	s14 =	simm.s32 $0x50;
	s15 =	simm.s32 $0xA0;
	v3 =	vld [tilespmem:s31+$0x4B80]  }
0xd2: {  	s6 =	sand.u32 $0x70, s6;
	s7 =	sand.u32 $0x3F00, s7;
	s8 =	sand.u32 $0x60, s8;
	[tilespmem:v2+s19+$0x0] =	vst.idx.add.f32.msk vm1, v1  }
0xd3: {  	s13 =	sand.u32 $0x3F00, s13;
	s17 =	simm.s32 $0x60;
	v2 =	vld [tilespmem:s4+$0x4B80];
	s4 =	sor.u32 s6, s7  }
0xd4: {  	s25 =	sand.u32 $0x3F00, s15;
	s24 =	sand.u32 $0x70, s14;
	s7 =	sor.u32 s8, s13;
	v5 =	vld [tilespmem:s4+$0x4B80]  }
0xd5: {  	s26 =	sand.u32 $0x60, s17;
	s6 =	sor.u32 s24, s25;
	v6 =	vld [tilespmem:s7+$0x4B80]  }
0xd6: {  	s4 =	sor.u32 s26, s5;
	v7 =	vld [tilespmem:s6+$0x4B80]  }
0xd7: {  	s15 =	simm.s32 $0x140;
	s0 =	simm.s32 $0x0;
	v4 =	vld [tilespmem:s4+$0x4B80]  }
.LBB2_11:
0xd8: {  	s4 =	sadd.s32 $0x120, s15;
	s0 =	sadd.s32 $0xA, s0;
	v10 =	vld [tilespmem:s16+$0x4C80];
	s1 =	sadd.s32 $0xA0, s1  }
0xd9: {  	s5 =	sand.u32 $0x70, s1;
	s4 =	sand.u32 $0x3F00, s4;
	p1 =	slt.u32 s0, $0xBE;
	[tilespmem:v8+s19+$0x0] =	vst.idx.add.f32.msk vm1, v1  }
0xda: {  	s7 =	sadd.s32 $0x40, s15;
	s6 =	sadd.s32 $0xFFFFFF90, s1;
	s4 =	sor.u32 s5, s4;
	[tilespmem:v9+s19+$0x0] =	vst.idx.add.f32.msk vm1, v1  }
0xdb: {  	s8 =	sadd.s32 $0x60, s15;
	s13 =	sadd.s32 $0xFFFFFFB0, s1;
	s5 =	sadd.s32 $0xFFFFFFA0, s1;
	v8 =	vld [tilespmem:s4+$0x4B80]  }
0xdc: {  	s16 =	sadd.s32 $0xA0, s15;
	s14 =	sadd.s32 $0xFFFFFFC0, s1;
	s4 =	sadd.s32 $0x80, s15;
	[tilespmem:v2+s19+$0x0] =	vst.idx.add.f32.msk vm1, v1  }
0xdd: {  	s23 =	sadd.s32 $0xC0, s15;
	s17 =	sadd.s32 $0xFFFFFFD0, s1;
	s24 =	sadd.s32 $0xFFFFFFE0, s1;
	[tilespmem:v5+s19+$0x0] =	vst.idx.add.f32.msk vm1, v1  }
0xde: {  	s26 =	sadd.s32 $0xE0, s15;
	s25 =	sadd.s32 $0xFFFFFF70, s1;
	s6 =	sand.u32 $0x60, s6;
	[tilespmem:v6+s19+$0x0] =	vst.idx.add.f32.msk vm1, v1  }
0xdf: {  	s7 =	sand.u32 $0x3F00, s7;
	s25 =	sand.u32 $0x60, s25;
	s5 =	sand.u32 $0x70, s5;
	[tilespmem:v7+s19+$0x0] =	vst.idx.add.f32.msk vm1, v1  }
0xe0: {  	s8 =	sand.u32 $0x3F00, s8;
	s13 =	sand.u32 $0x60, s13;
	s4 =	sand.u32 $0x3F00, s4;
	[tilespmem:v4+s19+$0x0] =	vst.idx.add.f32.msk vm1, v1  }
0xe1: {  	s28 =	sand.u32 $0x3F00, s16;
	s14 =	sand.u32 $0x70, s14;
	s17 =	sand.u32 $0x60, s17;
	[tilespmem:v3+s19+$0x0] =	vst.idx.add.f32.msk vm1, v1  }
0xe2: {  	s23 =	sand.u32 $0x3F00, s23;
	s26 =	sand.u32 $0x3F00, s26;
	s24 =	sand.u32 $0x70, s24;
	[tilespmem:v10+s19+$0x0] =	vst.idx.add.f32.msk vm1, v1  }
0xe3: {  	s16 =	sand.u32 $0x1F00, s15;
	s6 =	sor.u32 s6, s7;
	s5 =	sor.u32 s5, s8;
	[tilespmem:v8+s19+$0x0] =	vst.idx.add.f32.msk vm1, v1  }
0xe4: {  	s16 =	sor.u32 s25, s16;
	s4 =	sor.u32 s13, s4;
	v2 =	vld [tilespmem:s6+$0x4B80];
	s6 =	sor.u32 s14, s28  }
0xe5: {  	s7 =	sor.u32 s17, s23;
	s8 =	sor.u32 s24, s26;
	v8 =	vld [tilespmem:s16+$0x4B80]  }
0xe6: {  	v9 =	vld [tilespmem:s16+$0x4B90]  }
.Ltmp6:
0xe7: {  	v5 =	vld [tilespmem:s5+$0x4B80];
	(pc) =	sbr.rel @p1 .LBB2_11-.Ltmp6, $4  }
0xe8: {  	v6 =	vld [tilespmem:s4+$0x4B80]  }
0xe9: {  	v7 =	vld [tilespmem:s6+$0x4B80]  }
0xea: {  	v4 =	vld [tilespmem:s7+$0x4B80]  }
0xeb: {  	s15 =	sadd.s32 $0x140, s15;
	v3 =	vld [tilespmem:s8+$0x4B80]  }
0xec: {  	_ =	sdelay $0x3  }
0xed: {  	v10 =	vld [tilespmem:s16+$0x4C80]  }
0xee: {  	[tilespmem:v8+s19+$0x0] =	vst.idx.add.f32.msk vm1, v1  }
0xef: {  	[tilespmem:v9+s19+$0x0] =	vst.idx.add.f32.msk vm1, v1  }
0xf0: {  	[tilespmem:v2+s19+$0x0] =	vst.idx.add.f32.msk vm1, v1  }
0xf1: {  	[tilespmem:v5+s19+$0x0] =	vst.idx.add.f32.msk vm1, v1  }
.Ltmp7:
0xf2: {  	[tilespmem:v6+s19+$0x0] =	vst.idx.add.f32.msk vm1, v1;
	(pc) =	sbr.rel @p0 .LBB2_14-.Ltmp7, $4  }
0xf3: {  	[tilespmem:v7+s19+$0x0] =	vst.idx.add.f32.msk vm1, v1  }
0xf4: {  	[tilespmem:v4+s19+$0x0] =	vst.idx.add.f32.msk vm1, v1  }
0xf5: {  	[tilespmem:v3+s19+$0x0] =	vst.idx.add.f32.msk vm1, v1  }
0xf6: {  	[tilespmem:v10+s19+$0x0] =	vst.idx.add.f32.msk vm1, v1  }
0xf7: {  	s0 =	sadd.s32 s12, s30  }
.Ltmp8:
0xf8: {  	s0 =	smin.u32 s0, $0x7CF;
	(pc) =	sbr.rel .LBB2_4-.Ltmp8, $4  }
0xf9: {  	s0 =	smul.u32 $0x320, s0  }
0xfa: {  	s1 =	simm.s32 $0x0  }
0xfb: {  	s4 =	simm.s32 $0x4B00;
	s29 =	sadd.s32 $0x1, s29;
	s0 =	sadd.s32 s2, s0  }
0xfc: {  	[tilespmem:s4], [sflag:$0x4] =	stream.linear.gather [hbm4b:s0+s1], $0x1900, $0x38;
	[tilespmem:$0x1EC00] =	vst v63  }
.LBB2_15:
0xfd: {  	_ =	sfence.sel $0x180000  }
0xfe: {  	[bflag:$0x0] =	sbarrier.arrive $0xFFFF  }
0xff: {  	_ =	strace $0x90000047  }
0x100: {  	s0 =	stileid.u32;
	[bflag:$0x2] =	sbarrier.arrive $0xFFFF  }
0x101: {  	p0 =	sne.s32 s0, $0x0;
	s0 =	rddreg [dreg:$0x2]  }
0x102: {  	s0 =	sadd.s32 @!p0 $0x100000, s0  }
0x103: {  	[sflag:s0] =	ssyncadd.tile.s32 @!p0 $0x1;
	_ =	shalt  }
.Lfunc_end2:
_tile_overlayer_lowered:
.L_overlay_start_2:
0x104: {  	(tag) =	ssettag $0x2  }
0x105: {  	s0 =	rddreg [dreg:$0x0];
	s2 =	stileid.u32  }
0x106: {  	s1 =	rddreg [dreg:$0x1];
	p0 =	sne.s32 s2, $0x0  }
0x107: {  	s3 =	rddreg [dreg:$0x2];
	[bflag:$0x3] =	sbarrier.arrive $0xFFFF;
	s2 =	simm.s32 @!p0 $0x1C05  }
0x108: {  	[timem:s3], [sflag:s2] =	dma.local @!p0 [hbm:s0], s1  }
0x109: {  	s0 =	simm.s32 @!p0 $0x5  }
0x10a: {  	_ =	swait.ge @!p0 [sflag:s0], s1  }
0x10b: {  	s1 =	ssub.s32 @!p0 $0x0, s1;
	[sflag:s0] =	ssyncset.done @!p0 $0x0  }
0x10c: {  	[sflag:s0] =	ssyncadd.s32 @!p0 s1  }
0x10d: {  	[bflag:$0x3] =	sbarrier.arrive $0xFFFF  }
0x10e: {  	_ =	shalt  }

// kernel: kernel.7.cloned.1.call-start
scs
__scs_entry_jumppad:
0x0: {  	(pc) =	sbr.rel $0x88, $3  }
0x1: {  	(tag) =	ssettag $0x0;
	lr =	simm.s32 $0x1  }
0x2: {  	[smem:$0x3FA0] =	sst lr;
	_ =	strace $0xD0000000  }
0x3: {  	_ = 	snop  }
0x4: {  	_ = 	snop  }
0x5: {  	_ = 	snop  }
0x6: {  	_ = 	snop  }
0x7: {  	_ = 	snop  }
__scs_overlays_trampoline_lowered:
0x8: {  	[smem:$0x3FAF] =	sst s0  }
0x9: {  	[smem:$0x3FB0] =	sst s1  }
0xa: {  	[smem:$0x3FB1] =	sst s2  }
0xb: {  	[smem:$0x3FB2] =	sst s3  }
0xc: {  	[smem:$0x3FB3] =	sst s4  }
0xd: {  	[smem:$0x3FB4] =	sst s5  }
0xe: {  	[smem:$0x3FB5] =	sst s6  }
0xf: {  	[smem:$0x3FB6] =	sst s7  }
0x10: {  	[smem:$0x3FB7] =	sst s8  }
0x11: {  	[smem:$0x3FB8] =	sst s9;
	s0 =	simm.s32 @!p0 $0x0  }
0x12: {  	s1 =	sld [smem:$0x3F9E];
	s0 =	simm.s32 @p0 $0x1  }
0x13: {  	[smem:$0x3FB9] =	sst s0;
	s0 =	simm.s32 @!p1 $0x0  }
0x14: {  	s2 =	sld [smem:$0x3F9D];
	s0 =	simm.s32 @p1 $0x1  }
0x15: {  	[smem:$0x3FBA] =	sst s0;
	s0 =	simm.s32 @!p2 $0x0  }
0x16: {  	s3 =	sld [smem:$0x3FDB];
	s0 =	simm.s32 @p2 $0x1  }
0x17: {  	s4 =	simm.s32 $0x1BF5;
	[smem:$0x3FBC] =	sst s0  }
0x18: {  	s0 =	sld [smem:$0x3F9F];
	_ =	swait.ge [sflag:s4], $0x0  }
0x19: {  	s7 =	sld [smem:$0x3FA0]  }
0x1a: {  	s8 =	sadd.s32 $0xFFFFE003, lr  }
0x1b: {  	s9 =	sadd.s32 $0xFFFFFEF7, lr;
	s5 =	simm.s32 $0xFFFFFFFF;
	p2 =	slt.u32 s8, $0xFFFFF086  }
0x1c: {  	p1 =	slt.u32 s9, $0xF7A;
	s5 =	simm.s32 @!p2 $0x0  }
0x1d: {  	s5 =	simm.s32 @p1 $0x1;
	p0 =	seq.s32 s7, s2  }
0x1e: {  	s7 =	smul.u32 @!p0 $0xF7A, s2;
	p2 =	seq.s32 @!p0 s5, $0x0  }
0x1f: {  	s9 =	smul.u32 $0xF7A, s1;
	s8 =	simm.s32 @!p0 $0x1BF5;
	p2 =	por !p2, p0  }
0x20: {  	[sflag:s8] =	ssyncset.s32 @!p0 $0xFFFFF086;
	s6 =	sadd.s32 @!p0 s3, s7;
	s7 =	simm.s32 @!p0 $0x108  }
0x21: {  	s3 =	sadd.s32 s3, s9;
	s6 =	sadd.s32 @!p0 $0x88, s6;
	s7 =	simm.s32 @p2 $0x1082  }
0x22: {  	[simem:s7], [sflag:s8] =	dma.local @!p0 [hbm:s6], $0xF7A  }
0x23: {  	s9 =	sor.u32 $0xD0000000, s2;
	s6 =	simm.s32 $0x108;
	_ =	swait.ge @!p0 [sflag:s8], $0x0  }
0x24: {  	s3 =	sadd.s32 $0x88, s3;
	s6 =	simm.s32 @!p1 $0x1082;
	[sflag:s4] =	ssyncset.s32 $0xFFFFF086  }
0x25: {  	[simem:s6], [sflag:s4] =	dma.local [hbm:s3], $0xF7A  }
0x26: {  	[smem:$0x3FA0] =	sst s1;
	(tag) =	ssettag s2;
	_ =	strace s9  }
0x27: {  	s1 =	sld [smem:$0x3FB0]  }
0x28: {  	s2 =	sld [smem:$0x3FB1]  }
0x29: {  	s4 =	sld [smem:$0x3FB3]  }
0x2a: {  	p0 =	seq.s32 s5, $0x0;
	s5 =	sld [smem:$0x3FB4]  }
0x2b: {  	s6 =	sld [smem:$0x3FB5]  }
0x2c: {  	s7 =	sld [smem:$0x3FB6]  }
0x2d: {  	s3 =	simm.s32 $0x108;
	s8 =	sld [smem:$0x3FB7]  }
0x2e: {  	s3 =	simm.s32 @!p0 $0x1082;
	s9 =	sld [smem:$0x3FB8]  }
0x2f: {  	lr =	sadd.s32 s0, s3;
	s0 =	sld [smem:$0x3FAF]  }
0x30: {  	s3 =	sld [smem:$0x3FB2]  }
0x31: {  	[smem:$0x3FBB] =	sst s10  }
0x32: {  	s10 =	sld [smem:$0x3FB9];
	_ =	sdelay $0x3  }
0x33: {  	p0 =	seq.s32 s10, $0x1;
	s10 =	sld [smem:$0x3FBB];
	_ =	sdelay $0x3  }
0x34: {  	[smem:$0x3FBB] =	sst s10  }
0x35: {  	s10 =	sld [smem:$0x3FBA];
	_ =	sdelay $0x3  }
0x36: {  	p1 =	seq.s32 s10, $0x1;
	s10 =	sld [smem:$0x3FBB];
	_ =	sdelay $0x3  }
0x37: {  	[smem:$0x3FBB] =	sst s10  }
0x38: {  	s10 =	sld [smem:$0x3FBC]  }
0x39: {  	_ = 	snop;
	(pc) =	sbr.ind lr, $3  }
0x3a: {  	_ = 	snop  }
0x3b: {  	_ = 	snop  }
0x3c: {  	p2 =	seq.s32 s10, $0x1;
	s10 =	sld [smem:$0x3FBB]  }
0x3d: {  	_ =	shalt  }
0x3e: {  	_ =	shalt  }
0x3f: {  	_ =	shalt  }
0x40: {  	_ =	shalt  }
0x41: {  	_ =	shalt  }
0x42: {  	_ =	shalt  }
0x43: {  	_ =	shalt  }
0x44: {  	_ =	shalt  }
0x45: {  	_ =	shalt  }
0x46: {  	_ =	shalt  }
0x47: {  	_ =	shalt  }
0x48: {  	_ =	shalt  }
0x49: {  	_ =	shalt  }
0x4a: {  	_ =	shalt  }
0x4b: {  	_ =	shalt  }
0x4c: {  	_ =	shalt  }
0x4d: {  	_ =	shalt  }
0x4e: {  	_ =	shalt  }
0x4f: {  	_ =	shalt  }
0x50: {  	_ =	shalt  }
0x51: {  	_ =	shalt  }
0x52: {  	_ =	shalt  }
0x53: {  	_ =	shalt  }
0x54: {  	_ =	shalt  }
0x55: {  	_ =	shalt  }
0x56: {  	_ =	shalt  }
0x57: {  	_ =	shalt  }
0x58: {  	_ =	shalt  }
0x59: {  	_ =	shalt  }
0x5a: {  	_ =	shalt  }
0x5b: {  	_ =	shalt  }
0x5c: {  	_ =	shalt  }
0x5d: {  	_ =	shalt  }
0x5e: {  	_ =	shalt  }
0x5f: {  	_ =	shalt  }
0x60: {  	_ =	shalt  }
0x61: {  	_ =	shalt  }
0x62: {  	_ =	shalt  }
0x63: {  	_ =	shalt  }
0x64: {  	_ =	shalt  }
0x65: {  	_ =	shalt  }
0x66: {  	_ =	shalt  }
0x67: {  	_ =	shalt  }
0x68: {  	_ =	shalt  }
0x69: {  	_ =	shalt  }
0x6a: {  	_ =	shalt  }
0x6b: {  	_ =	shalt  }
0x6c: {  	_ =	shalt  }
0x6d: {  	_ =	shalt  }
0x6e: {  	_ =	shalt  }
0x6f: {  	_ =	shalt  }
0x70: {  	_ =	shalt  }
0x71: {  	_ =	shalt  }
0x72: {  	_ =	shalt  }
0x73: {  	_ =	shalt  }
0x74: {  	_ =	shalt  }
0x75: {  	_ =	shalt  }
0x76: {  	_ =	shalt  }
0x77: {  	_ =	shalt  }
0x78: {  	_ =	shalt  }
0x79: {  	_ =	shalt  }
0x7a: {  	_ =	shalt  }
0x7b: {  	_ =	shalt  }
0x7c: {  	_ =	shalt  }
0x7d: {  	_ =	shalt  }
0x7e: {  	_ =	shalt  }
0x7f: {  	_ =	shalt  }
0x80: {  	_ =	shalt  }
0x81: {  	_ =	shalt  }
0x82: {  	_ =	shalt  }
0x83: {  	_ =	shalt  }
0x84: {  	_ =	shalt  }
0x85: {  	_ =	shalt  }
0x86: {  	_ =	shalt  }
0x87: {  	_ =	shalt  }
.Lfunc_end0:
.L_simem_size_0:
called_computation.1_lowered:
.L_overlay_start_0:
0x88: {  	s2 =	sld [smem:$0x3FD9]  }
0x89: {  	s3 =	sld [smem:$0x3FFE];
	_ =	sdelay $0x1  }
0x8a: {  	s1 =	srdreg.scid  }
0x8b: {  	s0 =	sand.u32 $0x1, s1  }
0x8c: {  	s17 =	sshll.u32 s0, $0xA;
	s2 =	sadd.s32 s3, s2  }
0x8d: {  	s2 =	sadd.s32 s2, s17  }
0x8e: {  	[smem:$0x3FC7] =	sst s2  }
0x8f: {  	_ = 	snop  }
0x90: {  	s2 =	sld [smem:$0x3FD0];
	(tm) =	ssettm $0x1  }
0x91: {  	s18 =	sld [smem:$0x3FFB];
	_ =	sdelay $0x3  }
0x92: {  	_ =	strace s18  }
0x93: {  	s3 =	sld [smem:$0x3FFC];
	_ =	sdelay $0x3  }
0x94: {  	_ =	strace s3  }
0x95: {  	s3 =	sld [smem:$0x3FFD];
	_ =	sdelay $0x3  }
0x96: {  	_ =	strace s3  }
0x97: {  	_ =	strace $0x8FFFFFFF  }
0x98: {  	s19 =	sld [smem:$0x3FDB];
	_ =	sdelay $0x1  }
0x99: {  	s4 =	simm.s32 $_scs_section_size  }
0x9a: {  	s5 =	simm.s32 $_size__tile_overlayer_lowered;
	s6 =	simm.s32 $_tile_overlayer_lowered  }
0x9b: {  	s22 =	simm.s32 $0x1BFF;
	s21 =	sshll.u32 s6, $0x1;
	s3 =	sadd.s32 s4, s19  }
0x9c: {  	s7 =	simm.s32 $0x0;
	s20 =	sshll.u32 s5, $0x1;
	s5 =	sadd.s32 s21, s3  }
0x9d: {  	[timem:s7], [sflag:s22] =	dma.local [hbm:s5], s20  }
0x9e: {  	_ =	swait.ge [sflag:s22], s20  }
0x9f: {  	s4 =	ssub.s32 $0x0, s20;
	[sflag:s22] =	ssyncset.done $0x0  }
0xa0: {  	[sflag:s22] =	ssyncadd.s32 s4;
	_ =	sdelay $0x1  }
0xa1: {  	s23 =	simm.s32 $0x1B8B  }
0xa2: {  	_ =	swait.ge [sflag:s23], $0x1  }
0xa3: {  	[sflag:s23] =	ssyncset.done $0x0  }
0xa4: {  	s25 =	simm.s32 $0x1B8E;
	s24 =	sld [smem:$0x3FFE];
	[sflag:s23] =	ssyncadd.s32 $0xFFFFFFFF  }
0xa5: {  	s26 =	simm.s32 $execute0_lowered;
	[smem:$0x3FD2] =	sst s25  }
0xa6: {  	s5 =	sshll.u32 s26, $0x1;
	_ =	strace $0x80000049;
	[dreg:$0x1] =	wrdreg $0xFFFFFFFF  }
0xa7: {  	s28 =	simm.s32 $_size_execute0_lowered;
	s3 =	sadd.s32 s3, s5;
	[dreg:$0x0] =	wrdreg $0x0  }
0xa8: {  	s5 =	sshll.u32 s28, $0x1;
	[dreg:$0x2] =	wrdreg s3  }
0xa9: {  	[dreg:$0x3] =	wrdreg s5  }
0xaa: {  	[dreg:$0x4] =	wrdreg $0xC0  }
0xab: {  	_ =	task [dreg:s7], $0x5FFFF  }
0xac: {  	[dreg:$0x1] =	wrdreg $0xFFFFFFFF  }
0xad: {  	[dreg:$0x0] =	wrdreg $0x60  }
0xae: {  	[dreg:$0x2] =	wrdreg s24  }
0xaf: {  	[dreg:$0x3] =	wrdreg s2  }
0xb0: {  	[dreg:$0x4] =	wrdreg $0x9  }
0xb1: {  	_ =	task.clear_ibuf [dreg:s7], $0x5FFFF;
	_ =	strace $0x90000049  }
0xb2: {  	s29 =	simm.s32 $0x9;
	_ =	strace $0x8000004B  }
0xb3: {  	_ =	swait.ge [sflag:s29], $0x1  }
0xb4: {  	[sflag:s29] =	ssyncadd.s32 $0xFFFFFFFF  }
0xb5: {  	_ =	strace $0x9000004B  }
0xb6: {  	_ =	sfence  }
0xb7: {  	s30 =	sld [smem:$0x0];
	_ =	sdelay $0x2  }
0xb8: {  	s31 =	sshll.u32 s1, $0xD;
	s1 =	sshrl.u32 s1, $0x2  }
0xb9: {  	s3 =	sand.u32 $0x4000, s31;
	s1 =	sadd.s32 s1, s30  }
0xba: {  	s0 =	sor.u32 s3, s0;
	s1 =	sshll.u32 s1, $0x11  }
0xbb: {  	s0 =	sor.u32 s1, s0  }
0xbc: {  	s0 =	sadd.s32 $0x8F2B, s0  }
0xbd: {  	[sflag:s0] =	ssyncadd.remote.s32 $0x1  }
0xbe: {  	_ =	sfence.sel $0xFFFF  }
0xbf: {  	[dreg:$0x0] =	wrdreg $0xFFFFFFFF;
	(pc) =	sbr.abs _section_cstart, $3  }
0xc0: {  	[dreg:$0x1] =	wrdreg $0xFFFFFFFF  }
0xc1: {  	_ =	task.clear_ibuf [dreg:s7], $0x2FFFF;
	_ =	strace $0x9FFFFFFF  }
0xc2: {  	(tm) =	ssettm $0x7FFFFFFF  }
0xc3: {  	_ =	shalt  }
tec
execute0_lowered:
.L_overlay_start_1:
0x0: {  	(tag) =	ssettag $0x1  }
0x1: {  	s1 =	srdreg.scid;
	s5 =	rddreg [dreg:$0x0]  }
0x2: {  	s0 =	stileid.u32;
	s6 =	rddreg [dreg:$0x1]  }
0x3: {  	s2 =	simm.s32 $0x0;
	s11 =	simm.s32 $0xC800;
	s13 =	simm.s32 $0x12C00  }
0x4: {  	s14 =	simm.s32 $0x1;
	s3 =	sand.u32 $0x1, s1;
	s31 =	sshll.u32 s0, $0x1  }
0x5: {  	s15 =	simm.s32 $0x19000;
	s16 =	simm.s32 $0xC4000;
	s8 =	sor.u32 s3, s31  }
0x6: {  	s17 =	simm.s32 $0x0;
	s1 =	rddreg [dreg:$0x2];
	s4 =	smul.u32 $0xC80, s8  }
0x7: {  	[smem:$0x7FF] =	sst s2;
	s3 =	ssub.s32 $0x2, s3;
	s9 =	smul.u32 $0x190, s8  }
.Ltmp0:
0x8: {  	_ =	strace $0x8000004A;
	s7 =	sshrl.u32 s3, $0x1;
	(pc) =	sbr.rel .LBB2_1-.Ltmp0, $4  }
0x9: {  	p0 =	seq.s32 s8, $0x1F;
	s7 =	ssub.s32 s3, s7;
	s4 =	sadd.s32 s4, s5  }
0xa: {  	s5 =	sadd.s32 $0x18B80, s5;
	s7 =	smax.u32 s7, $0x1;
	s3 =	sadd.s32 $0x800, s4  }
0xb: {  	s4 =	sadd.s32 s6, s9;
	s6 =	sadd.s32 $0x3070, s6;
	s8 =	sadd.s32 $0x18800, s5  }
0xc: {  	s9 =	simm.s32 $0x6400;
	s10 =	sadd.s32 $0x31000, s5;
	s12 =	sadd.s32 $0x49800, s5  }
.LBB2_7:
0xd: {  	v1 =	vadd.f32 v1, v6  }
0xe: {  	v62 =	vld [tilespmem:s26+$0x0]  }
0xf: {  	v7 =	vld [tilespmem:s25+$0x0];
	v1 =	vadd.f32 v2, v1  }
0x10: {  	v0 =	vadd.f32 v0, v5;
	v63 =	vld [tilespmem:s28+$0x0]  }
0x11: {  	v1 =	vadd.f32 v4, v1  }
0x12: {  	v0 =	vadd.f32 v3, v0  }
0x13: {  	v1 =	vadd.f32 v62, v1  }
0x14: {  	s18 =	sand.u32 $0x780, s18;
	v0 =	vadd.f32 v7, v0  }
0x15: {  	s18 =	sor.u32 s19, s18;
	v1 =	vadd.f32 v63, v1  }
0x16: {  	s31 =	sadd.s32 $0x20, s23;
	[tilespmem:s18+$0x19000] =	vst v0  }
0x17: {  	[tilespmem:s31+$0x0] =	vst v1  }
0x18: {  	[hbm4b:s6+s2] =	stream.linear.scatter [tilespmem:s15], [sflag:$0x1], $0x480, $0x38;
	[tilespmem:$0x19C80] =	vst v63  }
0x19: {  	_ =	swait.ge [sflag:s14], $0x480  }
0x1a: {  	[sflag:s14] =	ssyncset.done $0x0  }
0x1b: {  	[sflag:s14] =	ssyncadd.s32 $0xFFFFFB80  }
.LBB2_8:
0x1c: {  	s17 =	sadd.s32 $0x1, s17  }
0x1d: {  	p1 =	sne.s32 s17, s7  }
.Ltmp1:
0x1e: {  	_ = 	snop;
	(pc) =	sbr.rel @!p1 .LBB2_9-.Ltmp1, $1  }
0x1f: {  	_ =	sdelay $0x3  }
.LBB2_1:
.Ltmp2:
0x20: {  	(pc) =	sbr.rel @!p0 .LBB2_2-.Ltmp2, $1  }
0x21: {  	_ =	sdelay $0x3  }
0x22: {  	s21 =	simm.s32 $0x0  }
0x23: {  	[tilespmem:s21], [sflag:$0x1] =	stream.linear.gather [hbm4b:s5+s21], $0x2400, $0x38;
	[tilespmem:$0x19C80] =	vst v63  }
0x24: {  	_ = 	snop  }
0x25: {  	[tilespmem:s9], [sflag:$0x1] =	stream.linear.gather [hbm4b:s8+s21], $0x2400, $0x38;
	[tilespmem:$0x19C80] =	vst v63  }
0x26: {  	_ = 	snop  }
0x27: {  	[tilespmem:s11], [sflag:$0x1] =	stream.linear.gather [hbm4b:s10+s21], $0x2400, $0x38;
	[tilespmem:$0x19C80] =	vst v63  }
0x28: {  	_ = 	snop  }
0x29: {  	[tilespmem:s13], [sflag:$0x1] =	stream.linear.gather [hbm4b:s12+s21], $0x2400, $0x38;
	[tilespmem:$0x19C80] =	vst v63  }
0x2a: {  	s19 =	sand.u32 $0x60, s21;
	_ =	swait.ge [sflag:s14], $0x9000  }
0x2b: {  	s18 =	sand.u32 $0x3C00, s21;
	s22 =	sor.u32 $0x10, s19;
	[sflag:s14] =	ssyncset.done $0x0  }
0x2c: {  	s20 =	sor.u32 s22, s18;
	[sflag:s14] =	ssyncadd.s32 $0xFFFF7000  }
0x2d: {  	v0 =	vld [tilespmem:s20+$0x0]  }
0x2e: {  	s23 =	sor.u32 s19, s18;
	v7 =	vld [tilespmem:s20+$0x80]  }
0x2f: {  	v59 =	vld [tilespmem:s23+$0x0]  }
0x30: {  	v3 =	vld [tilespmem:s20+$0x100]  }
0x31: {  	v60 =	vld [tilespmem:s23+$0x80]  }
0x32: {  	v56 =	vld [tilespmem:s20+$0x180]  }
0x33: {  	v58 =	vld [tilespmem:s23+$0x100]  }
0x34: {  	v53 =	vld [tilespmem:s20+$0x200]  }
0x35: {  	v57 =	vld [tilespmem:s23+$0x180]  }
0x36: {  	v51 =	vld [tilespmem:s20+$0x280]  }
0x37: {  	v55 =	vld [tilespmem:s23+$0x200]  }
0x38: {  	v47 =	vld [tilespmem:s20+$0x300]  }
0x39: {  	v54 =	vld [tilespmem:s23+$0x280]  }
0x3a: {  	s24 =	sadd.s32 $0x6400, s18;
	v46 =	vld [tilespmem:s20+$0x380]  }
0x3b: {  	s26 =	sor.u32 s22, s24;
	v52 =	vld [tilespmem:s23+$0x300]  }
0x3c: {  	s25 =	sadd.s32 $0x6480, s18;
	v44 =	vld [tilespmem:s26+$0x0]  }
0x3d: {  	s29 =	sor.u32 s22, s25;
	v50 =	vld [tilespmem:s23+$0x380]  }
0x3e: {  	s30 =	sor.u32 s19, s24;
	v43 =	vld [tilespmem:s29+$0x0]  }
0x3f: {  	s31 =	sadd.s32 $0x6500, s18;
	s25 =	sor.u32 s19, s25;
	v49 =	vld [tilespmem:s30+$0x0]  }
0x40: {  	s23 =	sor.u32 s22, s31;
	v48 =	vld [tilespmem:s25+$0x0]  }
0x41: {  	s26 =	sadd.s32 $0x6580, s18;
	s30 =	sor.u32 s19, s31;
	v41 =	vld [tilespmem:s23+$0x0]  }
0x42: {  	s31 =	sadd.s32 $0x6600, s18;
	s29 =	sor.u32 s22, s26;
	v45 =	vld [tilespmem:s30+$0x0]  }
0x43: {  	s23 =	sor.u32 s22, s31;
	v39 =	vld [tilespmem:s29+$0x0]  }
0x44: {  	s25 =	sor.u32 s19, s26;
	v37 =	vld [tilespmem:s23+$0x0]  }
0x45: {  	s26 =	sadd.s32 $0x6680, s18;
	s30 =	sor.u32 s19, s31;
	v42 =	vld [tilespmem:s25+$0x0]  }
0x46: {  	s31 =	sadd.s32 $0x6700, s18;
	s29 =	sor.u32 s22, s26;
	v40 =	vld [tilespmem:s30+$0x0]  }
0x47: {  	s23 =	sor.u32 s22, s31;
	v35 =	vld [tilespmem:s29+$0x0]  }
0x48: {  	s25 =	sor.u32 s19, s26;
	v33 =	vld [tilespmem:s23+$0x0]  }
0x49: {  	s26 =	sadd.s32 $0x6780, s18;
	s30 =	sor.u32 s19, s31;
	v38 =	vld [tilespmem:s25+$0x0]  }
0x4a: {  	s31 =	sadd.s32 $0xC800, s18;
	s29 =	sor.u32 s22, s26;
	v36 =	vld [tilespmem:s30+$0x0]  }
0x4b: {  	s23 =	sor.u32 s22, s31;
	v31 =	vld [tilespmem:s29+$0x0]  }
0x4c: {  	s25 =	sor.u32 s19, s26;
	v29 =	vld [tilespmem:s23+$0x0]  }
0x4d: {  	s26 =	sadd.s32 $0xC880, s18;
	s30 =	sor.u32 s19, s31;
	v34 =	vld [tilespmem:s25+$0x0]  }
0x4e: {  	s31 =	sadd.s32 $0xC900, s18;
	s29 =	sor.u32 s22, s26;
	v32 =	vld [tilespmem:s30+$0x0]  }
0x4f: {  	s23 =	sor.u32 s22, s31;
	v27 =	vld [tilespmem:s29+$0x0]  }
0x50: {  	s25 =	sor.u32 s19, s26;
	v25 =	vld [tilespmem:s23+$0x0]  }
0x51: {  	s26 =	sadd.s32 $0xC980, s18;
	s30 =	sor.u32 s19, s31;
	v30 =	vld [tilespmem:s25+$0x0]  }
0x52: {  	s31 =	sadd.s32 $0xCA00, s18;
	s29 =	sor.u32 s22, s26;
	v28 =	vld [tilespmem:s30+$0x0]  }
0x53: {  	s23 =	sor.u32 s22, s31;
	v23 =	vld [tilespmem:s29+$0x0]  }
0x54: {  	s25 =	sor.u32 s19, s26;
	v21 =	vld [tilespmem:s23+$0x0]  }
0x55: {  	s26 =	sadd.s32 $0xCA80, s18;
	s30 =	sor.u32 s19, s31;
	v26 =	vld [tilespmem:s25+$0x0]  }
0x56: {  	s31 =	sadd.s32 $0xCB00, s18;
	s29 =	sor.u32 s22, s26;
	v24 =	vld [tilespmem:s30+$0x0]  }
0x57: {  	s23 =	sor.u32 s22, s31;
	v19 =	vld [tilespmem:s29+$0x0]  }
0x58: {  	s25 =	sor.u32 s19, s26;
	v17 =	vld [tilespmem:s23+$0x0]  }
0x59: {  	s26 =	sadd.s32 $0xCB80, s18;
	s30 =	sor.u32 s19, s31;
	v22 =	vld [tilespmem:s25+$0x0]  }
0x5a: {  	s31 =	sadd.s32 $0x12C00, s18;
	s29 =	sor.u32 s22, s26;
	v20 =	vld [tilespmem:s30+$0x0]  }
0x5b: {  	s23 =	sor.u32 s22, s31;
	v15 =	vld [tilespmem:s29+$0x0]  }
0x5c: {  	s25 =	sor.u32 s19, s26;
	v13 =	vld [tilespmem:s23+$0x0]  }
0x5d: {  	s26 =	sadd.s32 $0x12C80, s18;
	s30 =	sor.u32 s19, s31;
	v18 =	vld [tilespmem:s25+$0x0]  }
0x5e: {  	s31 =	sadd.s32 $0x12D00, s18;
	s29 =	sor.u32 s22, s26;
	v16 =	vld [tilespmem:s30+$0x0]  }
0x5f: {  	s23 =	sor.u32 s22, s31;
	v11 =	vld [tilespmem:s29+$0x0]  }
0x60: {  	s25 =	sor.u32 s19, s26;
	v9 =	vld [tilespmem:s23+$0x0]  }
0x61: {  	s26 =	sadd.s32 $0x12D80, s18;
	s30 =	sor.u32 s19, s31;
	v14 =	vld [tilespmem:s25+$0x0]  }
0x62: {  	s31 =	sadd.s32 $0x12E00, s18;
	s29 =	sor.u32 s22, s26;
	v12 =	vld [tilespmem:s30+$0x0]  }
0x63: {  	s23 =	sor.u32 s22, s31;
	v6 =	vld [tilespmem:s29+$0x0]  }
0x64: {  	s25 =	sor.u32 s19, s26;
	v4 =	vld [tilespmem:s23+$0x0]  }
0x65: {  	s26 =	sadd.s32 $0x12E80, s18;
	s30 =	sor.u32 s19, s31;
	v10 =	vld [tilespmem:s25+$0x0]  }
0x66: {  	s31 =	sadd.s32 $0x12F00, s18;
	s29 =	sor.u32 s22, s26;
	v8 =	vld [tilespmem:s30+$0x0]  }
0x67: {  	s23 =	sor.u32 s22, s31;
	v2 =	vld [tilespmem:s29+$0x0]  }
0x68: {  	s26 =	sor.u32 s19, s26;
	v1 =	vld [tilespmem:s23+$0x0]  }
0x69: {  	v61 =	vadd.f32 v7, v0;
	s31 =	sor.u32 s19, s31;
	s29 =	sadd.s32 $0x12F80, s18;
	v5 =	vld [tilespmem:s26+$0x0];
	s18 =	simm.s32 $0x20  }
0x6a: {  	s20 =	simm.s32 $0x100;
	v59 =	vadd.f32 v60, v59;
	v7 =	vld [tilespmem:s31+$0x0];
	s30 =	sor.u32 s22, s29;
	s24 =	sand.u32 $0x60, s18  }
0x6b: {  	v60 =	vadd.f32 v3, v61;
	s25 =	sand.u32 $0x3C00, s20;
	s26 =	sor.u32 s19, s29;
	v0 =	vld [tilespmem:s30+$0x0];
	s19 =	sor.u32 $0x10, s24  }
0x6c: {  	v58 =	vadd.f32 v58, v59;
	v3 =	vld [tilespmem:s26+$0x0];
	s29 =	sor.u32 s19, s25  }
0x6d: {  	v56 =	vadd.f32 v56, v60;
	v59 =	vld [tilespmem:s29+$0x0]  }
0x6e: {  	v57 =	vadd.f32 v57, v58;
	s30 =	sor.u32 s24, s25;
	v58 =	vld [tilespmem:s29+$0x80]  }
0x6f: {  	v53 =	vadd.f32 v53, v56;
	v60 =	vld [tilespmem:s30+$0x0]  }
0x70: {  	v55 =	vadd.f32 v55, v57;
	v56 =	vld [tilespmem:s29+$0x100]  }
0x71: {  	v51 =	vadd.f32 v51, v53;
	v57 =	vld [tilespmem:s30+$0x80]  }
0x72: {  	v62 =	vadd.f32 v54, v55;
	v54 =	vld [tilespmem:s29+$0x180]  }
0x73: {  	v47 =	vadd.f32 v47, v51;
	v63 =	vadd.f32 v58, v59;
	v58 =	vld [tilespmem:s30+$0x100]  }
0x74: {  	v61 =	vadd.f32 v52, v62;
	v52 =	vld [tilespmem:s29+$0x200]  }
0x75: {  	v55 =	vld [tilespmem:s30+$0x180];
	v46 =	vadd.f32 v46, v47;
	v62 =	vadd.f32 v56, v63  }
0x76: {  	v60 =	vadd.f32 v57, v60;
	v59 =	vld [tilespmem:s29+$0x280];
	v63 =	vadd.f32 v50, v61  }
0x77: {  	v44 =	vadd.f32 v44, v46;
	v53 =	vadd.f32 v54, v62;
	v54 =	vld [tilespmem:s30+$0x200]  }
0x78: {  	v47 =	vld [tilespmem:s29+$0x300];
	v61 =	vadd.f32 v49, v63;
	v62 =	vadd.f32 v58, v60  }
0x79: {  	v43 =	vadd.f32 v43, v44;
	v63 =	vadd.f32 v52, v53;
	v52 =	vld [tilespmem:s30+$0x280]  }
0x7a: {  	s28 =	sadd.s32 $0x6400, s25;
	v57 =	vld [tilespmem:s29+$0x380];
	v56 =	vadd.f32 v48, v61;
	v58 =	vadd.f32 v55, v62  }
0x7b: {  	s31 =	sor.u32 s19, s28;
	v41 =	vadd.f32 v41, v43;
	v60 =	vld [tilespmem:s30+$0x300];
	v59 =	vadd.f32 v59, v63  }
0x7c: {  	s29 =	sadd.s32 $0x6480, s25;
	v62 =	vld [tilespmem:s31+$0x0];
	v61 =	vadd.f32 v45, v56;
	v63 =	vadd.f32 v54, v58  }
0x7d: {  	v39 =	vadd.f32 v39, v41;
	v48 =	vld [tilespmem:s30+$0x380];
	s30 =	sor.u32 s19, s29;
	v47 =	vadd.f32 v47, v59  }
0x7e: {  	s31 =	sor.u32 s24, s28;
	s28 =	sadd.s32 $0x6500, s25;
	v53 =	vld [tilespmem:s30+$0x0];
	v51 =	vadd.f32 v42, v61;
	v54 =	vadd.f32 v52, v63  }
0x7f: {  	v37 =	vadd.f32 v37, v39;
	v56 =	vld [tilespmem:s31+$0x0];
	s30 =	sor.u32 s19, s28;
	v55 =	vadd.f32 v57, v47  }
0x80: {  	s31 =	sor.u32 s24, s29;
	s29 =	sadd.s32 $0x6580, s25;
	v58 =	vld [tilespmem:s30+$0x0];
	v57 =	vadd.f32 v40, v51;
	v59 =	vadd.f32 v60, v54  }
0x81: {  	s30 =	sor.u32 s19, s29;
	v35 =	vadd.f32 v35, v37;
	v61 =	vld [tilespmem:s31+$0x0];
	v60 =	vadd.f32 v62, v55  }
0x82: {  	s31 =	sor.u32 s24, s28;
	s28 =	sadd.s32 $0x6600, s25;
	v63 =	vld [tilespmem:s30+$0x0];
	v62 =	vadd.f32 v38, v57;
	v45 =	vadd.f32 v48, v59  }
0x83: {  	s30 =	sor.u32 s19, s28;
	v33 =	vadd.f32 v33, v35;
	v48 =	vld [tilespmem:s31+$0x0];
	v47 =	vadd.f32 v53, v60  }
0x84: {  	v50 =	vld [tilespmem:s30+$0x0];
	s31 =	sor.u32 s24, s29;
	s29 =	sadd.s32 $0x6680, s25;
	v49 =	vadd.f32 v36, v62;
	v51 =	vadd.f32 v56, v45  }
0x85: {  	v31 =	vadd.f32 v31, v33;
	v53 =	vld [tilespmem:s31+$0x0];
	s30 =	sor.u32 s19, s29;
	v52 =	vadd.f32 v58, v47  }
0x86: {  	s31 =	sor.u32 s24, s28;
	s28 =	sadd.s32 $0x6700, s25;
	v55 =	vld [tilespmem:s30+$0x0];
	v54 =	vadd.f32 v34, v49;
	v56 =	vadd.f32 v61, v51  }
0x87: {  	v29 =	vadd.f32 v29, v31;
	s30 =	sor.u32 s19, s28;
	v58 =	vld [tilespmem:s31+$0x0];
	v57 =	vadd.f32 v63, v52  }
0x88: {  	s31 =	sor.u32 s24, s29;
	s29 =	sadd.s32 $0x6780, s25;
	v60 =	vld [tilespmem:s30+$0x0];
	v59 =	vadd.f32 v32, v54;
	v61 =	vadd.f32 v48, v56  }
0x89: {  	v27 =	vadd.f32 v27, v29;
	s30 =	sor.u32 s19, s29;
	v63 =	vld [tilespmem:s31+$0x0];
	v62 =	vadd.f32 v50, v57  }
0x8a: {  	s31 =	sor.u32 s24, s28;
	s28 =	sadd.s32 $0xC800, s25;
	v39 =	vld [tilespmem:s30+$0x0];
	v37 =	vadd.f32 v30, v59;
	v40 =	vadd.f32 v53, v61  }
0x8b: {  	v25 =	vadd.f32 v25, v27;
	v42 =	vld [tilespmem:s31+$0x0];
	s30 =	sor.u32 s19, s28;
	v41 =	vadd.f32 v55, v62  }
0x8c: {  	s31 =	sor.u32 s24, s29;
	s29 =	sadd.s32 $0xC880, s25;
	v44 =	vld [tilespmem:s30+$0x0];
	v43 =	vadd.f32 v28, v37;
	v45 =	vadd.f32 v58, v40  }
0x8d: {  	v23 =	vadd.f32 v23, v25;
	v47 =	vld [tilespmem:s31+$0x0];
	s30 =	sor.u32 s19, s29;
	v46 =	vadd.f32 v60, v41  }
0x8e: {  	s31 =	sor.u32 s24, s28;
	s28 =	sadd.s32 $0xC900, s25;
	v49 =	vld [tilespmem:s30+$0x0];
	v48 =	vadd.f32 v26, v43;
	v50 =	vadd.f32 v63, v45  }
0x8f: {  	v52 =	vld [tilespmem:s31+$0x0];
	s30 =	sor.u32 s19, s28;
	v21 =	vadd.f32 v21, v23;
	v51 =	vadd.f32 v39, v46  }
0x90: {  	s31 =	sor.u32 s24, s29;
	s29 =	sadd.s32 $0xC980, s25;
	v54 =	vld [tilespmem:s30+$0x0];
	v53 =	vadd.f32 v24, v48;
	v55 =	vadd.f32 v42, v50  }
0x91: {  	v57 =	vld [tilespmem:s31+$0x0];
	s30 =	sor.u32 s19, s29;
	v19 =	vadd.f32 v19, v21;
	v56 =	vadd.f32 v44, v51  }
0x92: {  	s31 =	sor.u32 s24, s28;
	s28 =	sadd.s32 $0xCA00, s25;
	v59 =	vld [tilespmem:s30+$0x0];
	v58 =	vadd.f32 v22, v53;
	v60 =	vadd.f32 v47, v55  }
0x93: {  	v62 =	vld [tilespmem:s31+$0x0];
	s30 =	sor.u32 s19, s28;
	v17 =	vadd.f32 v17, v19;
	v61 =	vadd.f32 v49, v56  }
0x94: {  	s31 =	sor.u32 s24, s29;
	s29 =	sadd.s32 $0xCA80, s25;
	v29 =	vld [tilespmem:s30+$0x0];
	v63 =	vadd.f32 v20, v58;
	v30 =	vadd.f32 v52, v60  }
0x95: {  	v32 =	vld [tilespmem:s31+$0x0];
	s30 =	sor.u32 s19, s29;
	v15 =	vadd.f32 v15, v17;
	v31 =	vadd.f32 v54, v61  }
0x96: {  	s31 =	sor.u32 s24, s28;
	s28 =	sadd.s32 $0xCB00, s25;
	v34 =	vld [tilespmem:s30+$0x0];
	v33 =	vadd.f32 v18, v63;
	v35 =	vadd.f32 v57, v30  }
0x97: {  	v37 =	vld [tilespmem:s31+$0x0];
	s30 =	sor.u32 s19, s28;
	v13 =	vadd.f32 v13, v15;
	v36 =	vadd.f32 v59, v31  }
0x98: {  	s31 =	sor.u32 s24, s29;
	s29 =	sadd.s32 $0xCB80, s25;
	v39 =	vld [tilespmem:s30+$0x0];
	v38 =	vadd.f32 v16, v33;
	v40 =	vadd.f32 v62, v35  }
0x99: {  	s30 =	sor.u32 s19, s29;
	v42 =	vld [tilespmem:s31+$0x0];
	v11 =	vadd.f32 v11, v13;
	v41 =	vadd.f32 v29, v36  }
0x9a: {  	s31 =	sor.u32 s24, s28;
	s28 =	sadd.s32 $0x12C00, s25;
	v44 =	vld [tilespmem:s30+$0x0];
	v43 =	vadd.f32 v14, v38;
	v45 =	vadd.f32 v32, v40  }
0x9b: {  	s30 =	sor.u32 s19, s28;
	v47 =	vld [tilespmem:s31+$0x0];
	v9 =	vadd.f32 v9, v11;
	v46 =	vadd.f32 v34, v41  }
0x9c: {  	s31 =	sor.u32 s24, s29;
	s29 =	sadd.s32 $0x12C80, s25;
	v49 =	vld [tilespmem:s30+$0x0];
	v48 =	vadd.f32 v12, v43;
	v50 =	vadd.f32 v37, v45  }
0x9d: {  	s30 =	sor.u32 s19, s29;
	v52 =	vld [tilespmem:s31+$0x0];
	v6 =	vadd.f32 v6, v9;
	v51 =	vadd.f32 v39, v46  }
0x9e: {  	s31 =	sor.u32 s24, s28;
	s28 =	sadd.s32 $0x12D00, s25;
	v54 =	vld [tilespmem:s30+$0x0];
	v53 =	vadd.f32 v10, v48;
	v55 =	vadd.f32 v42, v50  }
0x9f: {  	s30 =	sor.u32 s19, s28;
	v57 =	vld [tilespmem:s31+$0x0];
	v4 =	vadd.f32 v4, v6;
	v56 =	vadd.f32 v44, v51  }
0xa0: {  	s31 =	sor.u32 s24, s29;
	s29 =	sadd.s32 $0x12D80, s25;
	v6 =	vadd.f32 v8, v53;
	v8 =	vld [tilespmem:s30+$0x0];
	v58 =	vadd.f32 v47, v55  }
0xa1: {  	v60 =	vld [tilespmem:s31+$0x0];
	v2 =	vadd.f32 v2, v4;
	s30 =	sor.u32 s19, s29;
	v59 =	vadd.f32 v49, v56  }
0xa2: {  	s31 =	sor.u32 s24, s28;
	s28 =	sadd.s32 $0x12E00, s25;
	v4 =	vadd.f32 v5, v6;
	v5 =	vld [tilespmem:s30+$0x0];
	v6 =	vadd.f32 v52, v58  }
0xa3: {  	v62 =	vld [tilespmem:s31+$0x0];
	v2 =	vadd.f32 v1, v2;
	s30 =	sor.u32 s19, s28;
	v61 =	vadd.f32 v54, v59  }
0xa4: {  	s31 =	sor.u32 s24, s29;
	s29 =	sadd.s32 $0x12E80, s25;
	v4 =	vadd.f32 v7, v4;
	v7 =	vld [tilespmem:s30+$0x0];
	v6 =	vadd.f32 v57, v6  }
0xa5: {  	s23 =	simm.s32 $0x19000;
	v1 =	vld [tilespmem:s31+$0x0];
	s26 =	sor.u32 s19, s29;
	v8 =	vadd.f32 v8, v61  }
0xa6: {  	s31 =	sadd.s32 $0x12F00, s25;
	v63 =	vadd.f32 v0, v2;
	s28 =	sor.u32 s24, s28;
	v0 =	vld [tilespmem:s26+$0x0];
	s30 =	sand.u32 $0x780, s21;
	v6 =	vadd.f32 v60, v6  }
0xa7: {  	s25 =	sadd.s32 $0x12F80, s25;
	v2 =	vld [tilespmem:s28+$0x0];
	s28 =	sor.u32 s19, s31;
	s22 =	sor.u32 s22, s30;
	v4 =	vadd.f32 v3, v4;
	v5 =	vadd.f32 v5, v8  }
0xa8: {  	s26 =	sor.u32 s24, s31;
	s21 =	simm.s32 $0x2;
	s30 =	sor.u32 s24, s29;
	[tilespmem:s22+$0x19000] =	vst v63;
	v3 =	vld [tilespmem:s28+$0x0];
	v6 =	vadd.f32 v62, v6  }
0xa9: {  	s28 =	sor.u32 s24, s25;
	s25 =	sor.u32 s19, s25;
	s22 =	simm.s32 $0x40;
	[tilespmem:s23+$0x0] =	vst v4;
	v4 =	vld [tilespmem:s30+$0x0];
	v5 =	vadd.f32 v7, v5  }
.LBB2_6:
0xaa: {  	s24 =	sand.u32 $0x60, s22;
	v1 =	vadd.f32 v1, v6;
	v6 =	vld [tilespmem:s25+$0x0];
	s20 =	sadd.s32 $0x100, s20  }
0xab: {  	s21 =	sadd.s32 $0x2, s21;
	v0 =	vadd.f32 v0, v5;
	s25 =	sand.u32 $0x3C00, s20;
	s29 =	sor.u32 $0x10, s24;
	v7 =	vld [tilespmem:s26+$0x0]  }
0xac: {  	p1 =	slt.u32 s21, $0x46;
	s26 =	sor.u32 s24, s25;
	s30 =	sor.u32 s29, s25;
	v1 =	vadd.f32 v2, v1;
	v2 =	vld [tilespmem:s28+$0x0]  }
0xad: {  	v0 =	vadd.f32 v3, v0;
	v5 =	vld [tilespmem:s30+$0x0]  }
0xae: {  	v3 =	vld [tilespmem:s30+$0x80];
	v1 =	vadd.f32 v4, v1  }
0xaf: {  	s28 =	sand.u32 $0x780, s18;
	s18 =	smov.u32 s22;
	v4 =	vld [tilespmem:s26+$0x0];
	v0 =	vadd.f32 v6, v0  }
0xb0: {  	s28 =	sor.u32 s19, s28;
	s19 =	smov.u32 s29;
	v6 =	vld [tilespmem:s30+$0x100];
	v1 =	vadd.f32 v7, v1  }
0xb1: {  	v7 =	vld [tilespmem:s26+$0x80];
	[tilespmem:s28+$0x19000] =	vst v0  }
0xb2: {  	v0 =	vld [tilespmem:s30+$0x180];
	v1 =	vadd.f32 v2, v1  }
0xb3: {  	s23 =	sadd.s32 $0x20, s23;
	v2 =	vld [tilespmem:s26+$0x100];
	v3 =	vadd.f32 v3, v5  }
0xb4: {  	v5 =	vld [tilespmem:s30+$0x200];
	[tilespmem:s23+$0x0] =	vst v1  }
0xb5: {  	v1 =	vld [tilespmem:s26+$0x180];
	v3 =	vadd.f32 v6, v3  }
0xb6: {  	v4 =	vadd.f32 v7, v4;
	v6 =	vld [tilespmem:s30+$0x280]  }
0xb7: {  	v7 =	vld [tilespmem:s26+$0x200];
	v0 =	vadd.f32 v0, v3  }
0xb8: {  	v2 =	vadd.f32 v2, v4;
	v3 =	vld [tilespmem:s30+$0x300]  }
0xb9: {  	v4 =	vld [tilespmem:s26+$0x280];
	v0 =	vadd.f32 v5, v0  }
0xba: {  	s28 =	sadd.s32 $0x6400, s25;
	v1 =	vadd.f32 v1, v2;
	v2 =	vld [tilespmem:s30+$0x380]  }
0xbb: {  	s29 =	sor.u32 s24, s28;
	s28 =	sor.u32 s19, s28;
	v5 =	vld [tilespmem:s26+$0x300];
	v0 =	vadd.f32 v6, v0  }
0xbc: {  	s30 =	sadd.s32 $0x6480, s25;
	v1 =	vadd.f32 v7, v1;
	v6 =	vld [tilespmem:s28+$0x0]  }
0xbd: {  	s28 =	sor.u32 s19, s30;
	v7 =	vld [tilespmem:s26+$0x380];
	s26 =	sor.u32 s24, s30;
	v0 =	vadd.f32 v3, v0  }
0xbe: {  	s30 =	sadd.s32 $0x6500, s25;
	v1 =	vadd.f32 v4, v1;
	v3 =	vld [tilespmem:s28+$0x0]  }
0xbf: {  	s28 =	sor.u32 s24, s30;
	v4 =	vld [tilespmem:s29+$0x0];
	v0 =	vadd.f32 v2, v0;
	s29 =	sor.u32 s19, s30  }
0xc0: {  	s30 =	sadd.s32 $0x6580, s25;
	v1 =	vadd.f32 v5, v1;
	v2 =	vld [tilespmem:s29+$0x0]  }
0xc1: {  	s29 =	sor.u32 s19, s30;
	v5 =	vld [tilespmem:s26+$0x0];
	s26 =	sor.u32 s24, s30;
	v0 =	vadd.f32 v6, v0  }
0xc2: {  	s30 =	sadd.s32 $0x6600, s25;
	v1 =	vadd.f32 v7, v1;
	v6 =	vld [tilespmem:s29+$0x0]  }
0xc3: {  	s29 =	sor.u32 s19, s30;
	v7 =	vld [tilespmem:s28+$0x0];
	s28 =	sor.u32 s24, s30;
	v0 =	vadd.f32 v3, v0  }
0xc4: {  	s30 =	sadd.s32 $0x6680, s25;
	v1 =	vadd.f32 v4, v1;
	v3 =	vld [tilespmem:s29+$0x0]  }
0xc5: {  	s29 =	sor.u32 s19, s30;
	v4 =	vld [tilespmem:s26+$0x0];
	s26 =	sor.u32 s24, s30;
	v0 =	vadd.f32 v2, v0  }
0xc6: {  	s30 =	sadd.s32 $0x6700, s25;
	v1 =	vadd.f32 v5, v1;
	v2 =	vld [tilespmem:s29+$0x0]  }
0xc7: {  	s29 =	sor.u32 s19, s30;
	v5 =	vld [tilespmem:s28+$0x0];
	s28 =	sor.u32 s24, s30;
	v0 =	vadd.f32 v6, v0  }
0xc8: {  	s30 =	sadd.s32 $0x6780, s25;
	v1 =	vadd.f32 v7, v1;
	v6 =	vld [tilespmem:s29+$0x0]  }
0xc9: {  	s29 =	sor.u32 s19, s30;
	v7 =	vld [tilespmem:s26+$0x0];
	s26 =	sor.u32 s24, s30;
	v0 =	vadd.f32 v3, v0  }
0xca: {  	s30 =	sadd.s32 $0xC800, s25;
	v1 =	vadd.f32 v4, v1;
	v3 =	vld [tilespmem:s29+$0x0]  }
0xcb: {  	s29 =	sor.u32 s19, s30;
	v4 =	vld [tilespmem:s28+$0x0];
	s28 =	sor.u32 s24, s30;
	v0 =	vadd.f32 v2, v0  }
0xcc: {  	s30 =	sadd.s32 $0xC880, s25;
	v1 =	vadd.f32 v5, v1;
	v2 =	vld [tilespmem:s29+$0x0]  }
0xcd: {  	s29 =	sor.u32 s19, s30;
	v5 =	vld [tilespmem:s26+$0x0];
	s26 =	sor.u32 s24, s30;
	v0 =	vadd.f32 v6, v0  }
0xce: {  	s30 =	sadd.s32 $0xC900, s25;
	v1 =	vadd.f32 v7, v1;
	v6 =	vld [tilespmem:s29+$0x0]  }
0xcf: {  	s29 =	sor.u32 s19, s30;
	v7 =	vld [tilespmem:s28+$0x0];
	s28 =	sor.u32 s24, s30;
	v0 =	vadd.f32 v3, v0  }
0xd0: {  	s30 =	sadd.s32 $0xC980, s25;
	v1 =	vadd.f32 v4, v1;
	v3 =	vld [tilespmem:s29+$0x0]  }
0xd1: {  	s29 =	sor.u32 s19, s30;
	v4 =	vld [tilespmem:s26+$0x0];
	s26 =	sor.u32 s24, s30;
	v0 =	vadd.f32 v2, v0  }
0xd2: {  	s30 =	sadd.s32 $0xCA00, s25;
	v1 =	vadd.f32 v5, v1;
	v2 =	vld [tilespmem:s29+$0x0]  }
0xd3: {  	s29 =	sor.u32 s19, s30;
	v5 =	vld [tilespmem:s28+$0x0];
	s28 =	sor.u32 s24, s30;
	v0 =	vadd.f32 v6, v0  }
0xd4: {  	s30 =	sadd.s32 $0xCA80, s25;
	v1 =	vadd.f32 v7, v1;
	v6 =	vld [tilespmem:s29+$0x0]  }
0xd5: {  	s29 =	sor.u32 s19, s30;
	v7 =	vld [tilespmem:s26+$0x0];
	s26 =	sor.u32 s24, s30;
	v0 =	vadd.f32 v3, v0  }
0xd6: {  	s30 =	sadd.s32 $0xCB00, s25;
	v1 =	vadd.f32 v4, v1;
	v3 =	vld [tilespmem:s29+$0x0]  }
0xd7: {  	s29 =	sor.u32 s19, s30;
	v4 =	vld [tilespmem:s28+$0x0];
	s28 =	sor.u32 s24, s30;
	v0 =	vadd.f32 v2, v0  }
0xd8: {  	s30 =	sadd.s32 $0xCB80, s25;
	v1 =	vadd.f32 v5, v1;
	v2 =	vld [tilespmem:s29+$0x0]  }
0xd9: {  	s29 =	sor.u32 s19, s30;
	v5 =	vld [tilespmem:s26+$0x0];
	s26 =	sor.u32 s24, s30;
	v0 =	vadd.f32 v6, v0  }
0xda: {  	s30 =	sadd.s32 $0x12C00, s25;
	v1 =	vadd.f32 v7, v1;
	v6 =	vld [tilespmem:s29+$0x0]  }
0xdb: {  	s29 =	sor.u32 s19, s30;
	v7 =	vld [tilespmem:s28+$0x0];
	s28 =	sor.u32 s24, s30;
	v0 =	vadd.f32 v3, v0  }
0xdc: {  	s30 =	sadd.s32 $0x12C80, s25;
	v1 =	vadd.f32 v4, v1;
	v3 =	vld [tilespmem:s29+$0x0]  }
0xdd: {  	s29 =	sor.u32 s19, s30;
	v4 =	vld [tilespmem:s26+$0x0];
	s26 =	sor.u32 s24, s30;
	v0 =	vadd.f32 v2, v0  }
0xde: {  	s30 =	sadd.s32 $0x12D00, s25;
	v1 =	vadd.f32 v5, v1;
	v2 =	vld [tilespmem:s29+$0x0]  }
0xdf: {  	s29 =	sor.u32 s19, s30;
	v5 =	vld [tilespmem:s28+$0x0];
	s28 =	sor.u32 s24, s30;
	v0 =	vadd.f32 v6, v0  }
0xe0: {  	s30 =	sadd.s32 $0x12D80, s25;
	v1 =	vadd.f32 v7, v1;
	v6 =	vld [tilespmem:s29+$0x0]  }
0xe1: {  	s29 =	sor.u32 s19, s30;
	v7 =	vld [tilespmem:s26+$0x0];
	s26 =	sor.u32 s24, s30;
	v0 =	vadd.f32 v3, v0  }
0xe2: {  	s30 =	sadd.s32 $0x12E00, s25;
	v1 =	vadd.f32 v4, v1;
	v3 =	vld [tilespmem:s29+$0x0]  }
0xe3: {  	s29 =	sor.u32 s19, s30;
	v4 =	vld [tilespmem:s28+$0x0];
	s28 =	sor.u32 s24, s30;
	v0 =	vadd.f32 v2, v0  }
0xe4: {  	s30 =	sadd.s32 $0x12E80, s25;
	v2 =	vadd.f32 v5, v1;
	v5 =	vld [tilespmem:s29+$0x0]  }
.Ltmp3:
0xe5: {  	s29 =	sor.u32 s24, s30;
	v1 =	vld [tilespmem:s26+$0x0];
	v6 =	vadd.f32 v6, v0;
	s26 =	sor.u32 s19, s30;
	(pc) =	sbr.rel @p1 .LBB2_6-.Ltmp3, $4  }
0xe6: {  	s30 =	sadd.s32 $0x12F00, s25;
	v7 =	vadd.f32 v7, v2;
	v0 =	vld [tilespmem:s26+$0x0]  }
0xe7: {  	s26 =	sor.u32 s24, s30;
	v2 =	vld [tilespmem:s28+$0x0];
	v8 =	vadd.f32 v3, v6;
	s28 =	sor.u32 s19, s30  }
0xe8: {  	s25 =	sadd.s32 $0x12F80, s25;
	v6 =	vadd.f32 v4, v7;
	v3 =	vld [tilespmem:s28+$0x0]  }
0xe9: {  	s22 =	sadd.s32 $0x20, s22;
	s28 =	sor.u32 s24, s25;
	s25 =	sor.u32 s19, s25;
	v4 =	vld [tilespmem:s29+$0x0];
	v5 =	vadd.f32 v5, v8  }
.Ltmp4:
0xea: {  	_ = 	snop;
	(pc) =	sbr.rel .LBB2_7-.Ltmp4, $1  }
0xeb: {  	_ =	sdelay $0x3  }
.LBB2_2:
0xec: {  	s22 =	simm.s32 $0x0  }
0xed: {  	[tilespmem:s22], [sflag:$0x1] =	stream.strided.gather [hbm4b:s3+s9], $0x19000, s16, s9, $0x38;
	[tilespmem:$0x19C80] =	vst v63  }
0xee: {  	s19 =	sand.u32 $0x60, s22;
	_ =	swait.ge [sflag:s14], $0x19000  }
0xef: {  	s18 =	sand.u32 $0x7C00, s22;
	s21 =	sor.u32 $0x10, s19;
	[sflag:s14] =	ssyncset.done $0x0  }
0xf0: {  	s20 =	sor.u32 s21, s18;
	[sflag:s14] =	ssyncadd.s32 $0xFFFE7000  }
0xf1: {  	v0 =	vld [tilespmem:s20+$0x0]  }
0xf2: {  	s23 =	sor.u32 s19, s18;
	v7 =	vld [tilespmem:s20+$0x80]  }
0xf3: {  	v59 =	vld [tilespmem:s23+$0x0]  }
0xf4: {  	v3 =	vld [tilespmem:s20+$0x100]  }
0xf5: {  	v60 =	vld [tilespmem:s23+$0x80]  }
0xf6: {  	v56 =	vld [tilespmem:s20+$0x180]  }
0xf7: {  	v58 =	vld [tilespmem:s23+$0x100]  }
0xf8: {  	v53 =	vld [tilespmem:s20+$0x200]  }
0xf9: {  	v57 =	vld [tilespmem:s23+$0x180]  }
0xfa: {  	v51 =	vld [tilespmem:s20+$0x280]  }
0xfb: {  	v55 =	vld [tilespmem:s23+$0x200]  }
0xfc: {  	v47 =	vld [tilespmem:s20+$0x300]  }
0xfd: {  	v54 =	vld [tilespmem:s23+$0x280]  }
0xfe: {  	s24 =	sadd.s32 $0x6400, s18;
	v46 =	vld [tilespmem:s20+$0x380]  }
0xff: {  	s26 =	sor.u32 s21, s24;
	v52 =	vld [tilespmem:s23+$0x300]  }
0x100: {  	s25 =	sadd.s32 $0x6480, s18;
	v44 =	vld [tilespmem:s26+$0x0]  }
0x101: {  	s29 =	sor.u32 s21, s25;
	v50 =	vld [tilespmem:s23+$0x380]  }
0x102: {  	s30 =	sor.u32 s19, s24;
	v43 =	vld [tilespmem:s29+$0x0]  }
0x103: {  	s31 =	sadd.s32 $0x6500, s18;
	s25 =	sor.u32 s19, s25;
	v49 =	vld [tilespmem:s30+$0x0]  }
0x104: {  	s23 =	sor.u32 s21, s31;
	v48 =	vld [tilespmem:s25+$0x0]  }
0x105: {  	s26 =	sadd.s32 $0x6580, s18;
	s30 =	sor.u32 s19, s31;
	v41 =	vld [tilespmem:s23+$0x0]  }
0x106: {  	s31 =	sadd.s32 $0x6600, s18;
	s29 =	sor.u32 s21, s26;
	v45 =	vld [tilespmem:s30+$0x0]  }
0x107: {  	s23 =	sor.u32 s21, s31;
	v39 =	vld [tilespmem:s29+$0x0]  }
0x108: {  	s25 =	sor.u32 s19, s26;
	v37 =	vld [tilespmem:s23+$0x0]  }
0x109: {  	s26 =	sadd.s32 $0x6680, s18;
	s30 =	sor.u32 s19, s31;
	v42 =	vld [tilespmem:s25+$0x0]  }
0x10a: {  	s31 =	sadd.s32 $0x6700, s18;
	s29 =	sor.u32 s21, s26;
	v40 =	vld [tilespmem:s30+$0x0]  }
0x10b: {  	s23 =	sor.u32 s21, s31;
	v35 =	vld [tilespmem:s29+$0x0]  }
0x10c: {  	s25 =	sor.u32 s19, s26;
	v33 =	vld [tilespmem:s23+$0x0]  }
0x10d: {  	s26 =	sadd.s32 $0x6780, s18;
	s30 =	sor.u32 s19, s31;
	v38 =	vld [tilespmem:s25+$0x0]  }
0x10e: {  	s31 =	sadd.s32 $0xC800, s18;
	s29 =	sor.u32 s21, s26;
	v36 =	vld [tilespmem:s30+$0x0]  }
0x10f: {  	s23 =	sor.u32 s21, s31;
	v31 =	vld [tilespmem:s29+$0x0]  }
0x110: {  	s25 =	sor.u32 s19, s26;
	v29 =	vld [tilespmem:s23+$0x0]  }
0x111: {  	s26 =	sadd.s32 $0xC880, s18;
	s30 =	sor.u32 s19, s31;
	v34 =	vld [tilespmem:s25+$0x0]  }
0x112: {  	s31 =	sadd.s32 $0xC900, s18;
	s29 =	sor.u32 s21, s26;
	v32 =	vld [tilespmem:s30+$0x0]  }
0x113: {  	s23 =	sor.u32 s21, s31;
	v27 =	vld [tilespmem:s29+$0x0]  }
0x114: {  	s25 =	sor.u32 s19, s26;
	v25 =	vld [tilespmem:s23+$0x0]  }
0x115: {  	s26 =	sadd.s32 $0xC980, s18;
	s30 =	sor.u32 s19, s31;
	v30 =	vld [tilespmem:s25+$0x0]  }
0x116: {  	s31 =	sadd.s32 $0xCA00, s18;
	s29 =	sor.u32 s21, s26;
	v28 =	vld [tilespmem:s30+$0x0]  }
0x117: {  	s23 =	sor.u32 s21, s31;
	v23 =	vld [tilespmem:s29+$0x0]  }
0x118: {  	s25 =	sor.u32 s19, s26;
	v21 =	vld [tilespmem:s23+$0x0]  }
0x119: {  	s26 =	sadd.s32 $0xCA80, s18;
	s30 =	sor.u32 s19, s31;
	v26 =	vld [tilespmem:s25+$0x0]  }
0x11a: {  	s31 =	sadd.s32 $0xCB00, s18;
	s29 =	sor.u32 s21, s26;
	v24 =	vld [tilespmem:s30+$0x0]  }
0x11b: {  	s23 =	sor.u32 s21, s31;
	v19 =	vld [tilespmem:s29+$0x0]  }
0x11c: {  	s25 =	sor.u32 s19, s26;
	v17 =	vld [tilespmem:s23+$0x0]  }
0x11d: {  	s26 =	sadd.s32 $0xCB80, s18;
	s30 =	sor.u32 s19, s31;
	v22 =	vld [tilespmem:s25+$0x0]  }
0x11e: {  	s31 =	sadd.s32 $0x12C00, s18;
	s29 =	sor.u32 s21, s26;
	v20 =	vld [tilespmem:s30+$0x0]  }
0x11f: {  	s23 =	sor.u32 s21, s31;
	v15 =	vld [tilespmem:s29+$0x0]  }
0x120: {  	s25 =	sor.u32 s19, s26;
	v13 =	vld [tilespmem:s23+$0x0]  }
0x121: {  	s26 =	sadd.s32 $0x12C80, s18;
	s30 =	sor.u32 s19, s31;
	v18 =	vld [tilespmem:s25+$0x0]  }
0x122: {  	s31 =	sadd.s32 $0x12D00, s18;
	s29 =	sor.u32 s21, s26;
	v16 =	vld [tilespmem:s30+$0x0]  }
0x123: {  	s23 =	sor.u32 s21, s31;
	v11 =	vld [tilespmem:s29+$0x0]  }
0x124: {  	s25 =	sor.u32 s19, s26;
	v9 =	vld [tilespmem:s23+$0x0]  }
0x125: {  	s26 =	sadd.s32 $0x12D80, s18;
	s30 =	sor.u32 s19, s31;
	v14 =	vld [tilespmem:s25+$0x0]  }
0x126: {  	s31 =	sadd.s32 $0x12E00, s18;
	s29 =	sor.u32 s21, s26;
	v12 =	vld [tilespmem:s30+$0x0]  }
0x127: {  	s23 =	sor.u32 s21, s31;
	v6 =	vld [tilespmem:s29+$0x0]  }
0x128: {  	s25 =	sor.u32 s19, s26;
	v4 =	vld [tilespmem:s23+$0x0]  }
0x129: {  	s26 =	sadd.s32 $0x12E80, s18;
	s30 =	sor.u32 s19, s31;
	v10 =	vld [tilespmem:s25+$0x0]  }
0x12a: {  	s31 =	sadd.s32 $0x12F00, s18;
	s29 =	sor.u32 s21, s26;
	v8 =	vld [tilespmem:s30+$0x0]  }
0x12b: {  	s23 =	sor.u32 s21, s31;
	v2 =	vld [tilespmem:s29+$0x0]  }
0x12c: {  	s26 =	sor.u32 s19, s26;
	v1 =	vld [tilespmem:s23+$0x0]  }
0x12d: {  	v61 =	vadd.f32 v7, v0;
	s31 =	sor.u32 s19, s31;
	s29 =	sadd.s32 $0x12F80, s18;
	v5 =	vld [tilespmem:s26+$0x0];
	s18 =	simm.s32 $0x20  }
0x12e: {  	s20 =	simm.s32 $0x100;
	v59 =	vadd.f32 v60, v59;
	v7 =	vld [tilespmem:s31+$0x0];
	s30 =	sor.u32 s21, s29;
	s24 =	sand.u32 $0x60, s18  }
0x12f: {  	v60 =	vadd.f32 v3, v61;
	s25 =	sand.u32 $0x7C00, s20;
	s26 =	sor.u32 s19, s29;
	v0 =	vld [tilespmem:s30+$0x0];
	s19 =	sor.u32 $0x10, s24  }
0x130: {  	v58 =	vadd.f32 v58, v59;
	v3 =	vld [tilespmem:s26+$0x0];
	s29 =	sor.u32 s19, s25  }
0x131: {  	v56 =	vadd.f32 v56, v60;
	v59 =	vld [tilespmem:s29+$0x0]  }
0x132: {  	v57 =	vadd.f32 v57, v58;
	s30 =	sor.u32 s24, s25;
	v58 =	vld [tilespmem:s29+$0x80]  }
0x133: {  	v53 =	vadd.f32 v53, v56;
	v60 =	vld [tilespmem:s30+$0x0]  }
0x134: {  	v55 =	vadd.f32 v55, v57;
	v56 =	vld [tilespmem:s29+$0x100]  }
0x135: {  	v51 =	vadd.f32 v51, v53;
	v57 =	vld [tilespmem:s30+$0x80]  }
0x136: {  	v62 =	vadd.f32 v54, v55;
	v54 =	vld [tilespmem:s29+$0x180]  }
0x137: {  	v47 =	vadd.f32 v47, v51;
	v63 =	vadd.f32 v58, v59;
	v58 =	vld [tilespmem:s30+$0x100]  }
0x138: {  	v61 =	vadd.f32 v52, v62;
	v52 =	vld [tilespmem:s29+$0x200]  }
0x139: {  	v55 =	vld [tilespmem:s30+$0x180];
	v46 =	vadd.f32 v46, v47;
	v62 =	vadd.f32 v56, v63  }
0x13a: {  	v60 =	vadd.f32 v57, v60;
	v59 =	vld [tilespmem:s29+$0x280];
	v63 =	vadd.f32 v50, v61  }
0x13b: {  	v44 =	vadd.f32 v44, v46;
	v53 =	vadd.f32 v54, v62;
	v54 =	vld [tilespmem:s30+$0x200]  }
0x13c: {  	v47 =	vld [tilespmem:s29+$0x300];
	v61 =	vadd.f32 v49, v63;
	v62 =	vadd.f32 v58, v60  }
0x13d: {  	v43 =	vadd.f32 v43, v44;
	v63 =	vadd.f32 v52, v53;
	v52 =	vld [tilespmem:s30+$0x280]  }
0x13e: {  	s28 =	sadd.s32 $0x6400, s25;
	v57 =	vld [tilespmem:s29+$0x380];
	v56 =	vadd.f32 v48, v61;
	v58 =	vadd.f32 v55, v62  }
0x13f: {  	s31 =	sor.u32 s19, s28;
	v41 =	vadd.f32 v41, v43;
	v60 =	vld [tilespmem:s30+$0x300];
	v59 =	vadd.f32 v59, v63  }
0x140: {  	s29 =	sadd.s32 $0x6480, s25;
	v62 =	vld [tilespmem:s31+$0x0];
	v61 =	vadd.f32 v45, v56;
	v63 =	vadd.f32 v54, v58  }
0x141: {  	v39 =	vadd.f32 v39, v41;
	v48 =	vld [tilespmem:s30+$0x380];
	s30 =	sor.u32 s19, s29;
	v47 =	vadd.f32 v47, v59  }
0x142: {  	s31 =	sor.u32 s24, s28;
	s28 =	sadd.s32 $0x6500, s25;
	v53 =	vld [tilespmem:s30+$0x0];
	v51 =	vadd.f32 v42, v61;
	v54 =	vadd.f32 v52, v63  }
0x143: {  	v37 =	vadd.f32 v37, v39;
	v56 =	vld [tilespmem:s31+$0x0];
	s30 =	sor.u32 s19, s28;
	v55 =	vadd.f32 v57, v47  }
0x144: {  	s31 =	sor.u32 s24, s29;
	s29 =	sadd.s32 $0x6580, s25;
	v58 =	vld [tilespmem:s30+$0x0];
	v57 =	vadd.f32 v40, v51;
	v59 =	vadd.f32 v60, v54  }
0x145: {  	s30 =	sor.u32 s19, s29;
	v35 =	vadd.f32 v35, v37;
	v61 =	vld [tilespmem:s31+$0x0];
	v60 =	vadd.f32 v62, v55  }
0x146: {  	s31 =	sor.u32 s24, s28;
	s28 =	sadd.s32 $0x6600, s25;
	v63 =	vld [tilespmem:s30+$0x0];
	v62 =	vadd.f32 v38, v57;
	v45 =	vadd.f32 v48, v59  }
0x147: {  	s30 =	sor.u32 s19, s28;
	v33 =	vadd.f32 v33, v35;
	v48 =	vld [tilespmem:s31+$0x0];
	v47 =	vadd.f32 v53, v60  }
0x148: {  	v50 =	vld [tilespmem:s30+$0x0];
	s31 =	sor.u32 s24, s29;
	s29 =	sadd.s32 $0x6680, s25;
	v49 =	vadd.f32 v36, v62;
	v51 =	vadd.f32 v56, v45  }
0x149: {  	v31 =	vadd.f32 v31, v33;
	v53 =	vld [tilespmem:s31+$0x0];
	s30 =	sor.u32 s19, s29;
	v52 =	vadd.f32 v58, v47  }
0x14a: {  	s31 =	sor.u32 s24, s28;
	s28 =	sadd.s32 $0x6700, s25;
	v55 =	vld [tilespmem:s30+$0x0];
	v54 =	vadd.f32 v34, v49;
	v56 =	vadd.f32 v61, v51  }
0x14b: {  	v29 =	vadd.f32 v29, v31;
	s30 =	sor.u32 s19, s28;
	v58 =	vld [tilespmem:s31+$0x0];
	v57 =	vadd.f32 v63, v52  }
0x14c: {  	s31 =	sor.u32 s24, s29;
	s29 =	sadd.s32 $0x6780, s25;
	v60 =	vld [tilespmem:s30+$0x0];
	v59 =	vadd.f32 v32, v54;
	v61 =	vadd.f32 v48, v56  }
0x14d: {  	v27 =	vadd.f32 v27, v29;
	s30 =	sor.u32 s19, s29;
	v63 =	vld [tilespmem:s31+$0x0];
	v62 =	vadd.f32 v50, v57  }
0x14e: {  	s31 =	sor.u32 s24, s28;
	s28 =	sadd.s32 $0xC800, s25;
	v39 =	vld [tilespmem:s30+$0x0];
	v37 =	vadd.f32 v30, v59;
	v40 =	vadd.f32 v53, v61  }
0x14f: {  	v25 =	vadd.f32 v25, v27;
	v42 =	vld [tilespmem:s31+$0x0];
	s30 =	sor.u32 s19, s28;
	v41 =	vadd.f32 v55, v62  }
0x150: {  	s31 =	sor.u32 s24, s29;
	s29 =	sadd.s32 $0xC880, s25;
	v44 =	vld [tilespmem:s30+$0x0];
	v43 =	vadd.f32 v28, v37;
	v45 =	vadd.f32 v58, v40  }
0x151: {  	v23 =	vadd.f32 v23, v25;
	v47 =	vld [tilespmem:s31+$0x0];
	s30 =	sor.u32 s19, s29;
	v46 =	vadd.f32 v60, v41  }
0x152: {  	s31 =	sor.u32 s24, s28;
	s28 =	sadd.s32 $0xC900, s25;
	v49 =	vld [tilespmem:s30+$0x0];
	v48 =	vadd.f32 v26, v43;
	v50 =	vadd.f32 v63, v45  }
0x153: {  	v52 =	vld [tilespmem:s31+$0x0];
	s30 =	sor.u32 s19, s28;
	v21 =	vadd.f32 v21, v23;
	v51 =	vadd.f32 v39, v46  }
0x154: {  	s31 =	sor.u32 s24, s29;
	s29 =	sadd.s32 $0xC980, s25;
	v54 =	vld [tilespmem:s30+$0x0];
	v53 =	vadd.f32 v24, v48;
	v55 =	vadd.f32 v42, v50  }
0x155: {  	v57 =	vld [tilespmem:s31+$0x0];
	s30 =	sor.u32 s19, s29;
	v19 =	vadd.f32 v19, v21;
	v56 =	vadd.f32 v44, v51  }
0x156: {  	s31 =	sor.u32 s24, s28;
	s28 =	sadd.s32 $0xCA00, s25;
	v59 =	vld [tilespmem:s30+$0x0];
	v58 =	vadd.f32 v22, v53;
	v60 =	vadd.f32 v47, v55  }
0x157: {  	v62 =	vld [tilespmem:s31+$0x0];
	s30 =	sor.u32 s19, s28;
	v17 =	vadd.f32 v17, v19;
	v61 =	vadd.f32 v49, v56  }
0x158: {  	s31 =	sor.u32 s24, s29;
	s29 =	sadd.s32 $0xCA80, s25;
	v29 =	vld [tilespmem:s30+$0x0];
	v63 =	vadd.f32 v20, v58;
	v30 =	vadd.f32 v52, v60  }
0x159: {  	v32 =	vld [tilespmem:s31+$0x0];
	s30 =	sor.u32 s19, s29;
	v15 =	vadd.f32 v15, v17;
	v31 =	vadd.f32 v54, v61  }
0x15a: {  	s31 =	sor.u32 s24, s28;
	s28 =	sadd.s32 $0xCB00, s25;
	v34 =	vld [tilespmem:s30+$0x0];
	v33 =	vadd.f32 v18, v63;
	v35 =	vadd.f32 v57, v30  }
0x15b: {  	v37 =	vld [tilespmem:s31+$0x0];
	s30 =	sor.u32 s19, s28;
	v13 =	vadd.f32 v13, v15;
	v36 =	vadd.f32 v59, v31  }
0x15c: {  	s31 =	sor.u32 s24, s29;
	s29 =	sadd.s32 $0xCB80, s25;
	v39 =	vld [tilespmem:s30+$0x0];
	v38 =	vadd.f32 v16, v33;
	v40 =	vadd.f32 v62, v35  }
0x15d: {  	s30 =	sor.u32 s19, s29;
	v42 =	vld [tilespmem:s31+$0x0];
	v11 =	vadd.f32 v11, v13;
	v41 =	vadd.f32 v29, v36  }
0x15e: {  	s31 =	sor.u32 s24, s28;
	s28 =	sadd.s32 $0x12C00, s25;
	v44 =	vld [tilespmem:s30+$0x0];
	v43 =	vadd.f32 v14, v38;
	v45 =	vadd.f32 v32, v40  }
0x15f: {  	s30 =	sor.u32 s19, s28;
	v47 =	vld [tilespmem:s31+$0x0];
	v9 =	vadd.f32 v9, v11;
	v46 =	vadd.f32 v34, v41  }
0x160: {  	s31 =	sor.u32 s24, s29;
	s29 =	sadd.s32 $0x12C80, s25;
	v49 =	vld [tilespmem:s30+$0x0];
	v48 =	vadd.f32 v12, v43;
	v50 =	vadd.f32 v37, v45  }
0x161: {  	s30 =	sor.u32 s19, s29;
	v52 =	vld [tilespmem:s31+$0x0];
	v6 =	vadd.f32 v6, v9;
	v51 =	vadd.f32 v39, v46  }
0x162: {  	s31 =	sor.u32 s24, s28;
	s28 =	sadd.s32 $0x12D00, s25;
	v54 =	vld [tilespmem:s30+$0x0];
	v53 =	vadd.f32 v10, v48;
	v55 =	vadd.f32 v42, v50  }
0x163: {  	s30 =	sor.u32 s19, s28;
	v57 =	vld [tilespmem:s31+$0x0];
	v4 =	vadd.f32 v4, v6;
	v56 =	vadd.f32 v44, v51  }
0x164: {  	s31 =	sor.u32 s24, s29;
	s29 =	sadd.s32 $0x12D80, s25;
	v6 =	vadd.f32 v8, v53;
	v8 =	vld [tilespmem:s30+$0x0];
	v58 =	vadd.f32 v47, v55  }
0x165: {  	v60 =	vld [tilespmem:s31+$0x0];
	v2 =	vadd.f32 v2, v4;
	s30 =	sor.u32 s19, s29;
	v59 =	vadd.f32 v49, v56  }
0x166: {  	s31 =	sor.u32 s24, s28;
	s28 =	sadd.s32 $0x12E00, s25;
	v4 =	vadd.f32 v5, v6;
	v5 =	vld [tilespmem:s30+$0x0];
	v6 =	vadd.f32 v52, v58  }
0x167: {  	v62 =	vld [tilespmem:s31+$0x0];
	v2 =	vadd.f32 v1, v2;
	s30 =	sor.u32 s19, s28;
	v61 =	vadd.f32 v54, v59  }
0x168: {  	s31 =	sor.u32 s24, s29;
	s29 =	sadd.s32 $0x12E80, s25;
	v4 =	vadd.f32 v7, v4;
	v7 =	vld [tilespmem:s30+$0x0];
	v6 =	vadd.f32 v57, v6  }
0x169: {  	s23 =	simm.s32 $0x19000;
	v1 =	vld [tilespmem:s31+$0x0];
	s26 =	sor.u32 s19, s29;
	v8 =	vadd.f32 v8, v61  }
0x16a: {  	s31 =	sadd.s32 $0x12F00, s25;
	v63 =	vadd.f32 v0, v2;
	s28 =	sor.u32 s24, s28;
	v0 =	vld [tilespmem:s26+$0x0];
	s30 =	sand.u32 $0xF80, s22;
	v6 =	vadd.f32 v60, v6  }
0x16b: {  	s25 =	sadd.s32 $0x12F80, s25;
	v2 =	vld [tilespmem:s28+$0x0];
	s28 =	sor.u32 s19, s31;
	s21 =	sor.u32 s21, s30;
	v4 =	vadd.f32 v3, v4;
	v5 =	vadd.f32 v5, v8  }
0x16c: {  	s26 =	sor.u32 s24, s31;
	s22 =	simm.s32 $0x2;
	s30 =	sor.u32 s24, s29;
	[tilespmem:s21+$0x19000] =	vst v63;
	v3 =	vld [tilespmem:s28+$0x0];
	v6 =	vadd.f32 v62, v6  }
0x16d: {  	s28 =	sor.u32 s24, s25;
	s25 =	sor.u32 s19, s25;
	s21 =	simm.s32 $0x40;
	[tilespmem:s23+$0x0] =	vst v4;
	v4 =	vld [tilespmem:s30+$0x0];
	v5 =	vadd.f32 v7, v5  }
.LBB2_3:
0x16e: {  	s24 =	sand.u32 $0x60, s21;
	v1 =	vadd.f32 v1, v6;
	v6 =	vld [tilespmem:s25+$0x0];
	s20 =	sadd.s32 $0x100, s20  }
0x16f: {  	s22 =	sadd.s32 $0x2, s22;
	s25 =	sand.u32 $0x7C00, s20;
	s29 =	sor.u32 $0x10, s24;
	v7 =	vld [tilespmem:s26+$0x0];
	v0 =	vadd.f32 v0, v5  }
0x170: {  	p1 =	slt.u32 s22, $0xC6;
	s26 =	sor.u32 s24, s25;
	s30 =	sor.u32 s29, s25;
	v1 =	vadd.f32 v2, v1;
	v2 =	vld [tilespmem:s28+$0x0]  }
0x171: {  	v5 =	vld [tilespmem:s30+$0x0];
	v0 =	vadd.f32 v3, v0  }
0x172: {  	v3 =	vld [tilespmem:s30+$0x80];
	v1 =	vadd.f32 v4, v1  }
0x173: {  	s28 =	sand.u32 $0xF80, s18;
	s18 =	smov.u32 s21;
	v4 =	vld [tilespmem:s26+$0x0];
	v0 =	vadd.f32 v6, v0  }
0x174: {  	s28 =	sor.u32 s19, s28;
	s19 =	smov.u32 s29;
	v6 =	vld [tilespmem:s30+$0x100];
	v1 =	vadd.f32 v7, v1  }
0x175: {  	v7 =	vld [tilespmem:s26+$0x80];
	[tilespmem:s28+$0x19000] =	vst v0  }
0x176: {  	v0 =	vld [tilespmem:s30+$0x180];
	v1 =	vadd.f32 v2, v1  }
0x177: {  	s23 =	sadd.s32 $0x20, s23;
	v2 =	vld [tilespmem:s26+$0x100];
	v3 =	vadd.f32 v3, v5  }
0x178: {  	v5 =	vld [tilespmem:s30+$0x200];
	[tilespmem:s23+$0x0] =	vst v1  }
0x179: {  	v1 =	vld [tilespmem:s26+$0x180];
	v3 =	vadd.f32 v6, v3  }
0x17a: {  	v4 =	vadd.f32 v7, v4;
	v6 =	vld [tilespmem:s30+$0x280]  }
0x17b: {  	v7 =	vld [tilespmem:s26+$0x200];
	v0 =	vadd.f32 v0, v3  }
0x17c: {  	v2 =	vadd.f32 v2, v4;
	v3 =	vld [tilespmem:s30+$0x300]  }
0x17d: {  	v4 =	vld [tilespmem:s26+$0x280];
	v0 =	vadd.f32 v5, v0  }
0x17e: {  	s28 =	sadd.s32 $0x6400, s25;
	v1 =	vadd.f32 v1, v2;
	v2 =	vld [tilespmem:s30+$0x380]  }
0x17f: {  	s29 =	sor.u32 s24, s28;
	s28 =	sor.u32 s19, s28;
	v5 =	vld [tilespmem:s26+$0x300];
	v0 =	vadd.f32 v6, v0  }
0x180: {  	s30 =	sadd.s32 $0x6480, s25;
	v1 =	vadd.f32 v7, v1;
	v6 =	vld [tilespmem:s28+$0x0]  }
0x181: {  	s28 =	sor.u32 s19, s30;
	v7 =	vld [tilespmem:s26+$0x380];
	s26 =	sor.u32 s24, s30;
	v0 =	vadd.f32 v3, v0  }
0x182: {  	s30 =	sadd.s32 $0x6500, s25;
	v1 =	vadd.f32 v4, v1;
	v3 =	vld [tilespmem:s28+$0x0]  }
0x183: {  	s28 =	sor.u32 s24, s30;
	v4 =	vld [tilespmem:s29+$0x0];
	v0 =	vadd.f32 v2, v0;
	s29 =	sor.u32 s19, s30  }
0x184: {  	s30 =	sadd.s32 $0x6580, s25;
	v1 =	vadd.f32 v5, v1;
	v2 =	vld [tilespmem:s29+$0x0]  }
0x185: {  	s29 =	sor.u32 s19, s30;
	v5 =	vld [tilespmem:s26+$0x0];
	s26 =	sor.u32 s24, s30;
	v0 =	vadd.f32 v6, v0  }
0x186: {  	s30 =	sadd.s32 $0x6600, s25;
	v1 =	vadd.f32 v7, v1;
	v6 =	vld [tilespmem:s29+$0x0]  }
0x187: {  	s29 =	sor.u32 s19, s30;
	v7 =	vld [tilespmem:s28+$0x0];
	s28 =	sor.u32 s24, s30;
	v0 =	vadd.f32 v3, v0  }
0x188: {  	s30 =	sadd.s32 $0x6680, s25;
	v1 =	vadd.f32 v4, v1;
	v3 =	vld [tilespmem:s29+$0x0]  }
0x189: {  	s29 =	sor.u32 s19, s30;
	v4 =	vld [tilespmem:s26+$0x0];
	s26 =	sor.u32 s24, s30;
	v0 =	vadd.f32 v2, v0  }
0x18a: {  	s30 =	sadd.s32 $0x6700, s25;
	v1 =	vadd.f32 v5, v1;
	v2 =	vld [tilespmem:s29+$0x0]  }
0x18b: {  	s29 =	sor.u32 s19, s30;
	v5 =	vld [tilespmem:s28+$0x0];
	s28 =	sor.u32 s24, s30;
	v0 =	vadd.f32 v6, v0  }
0x18c: {  	s30 =	sadd.s32 $0x6780, s25;
	v1 =	vadd.f32 v7, v1;
	v6 =	vld [tilespmem:s29+$0x0]  }
0x18d: {  	s29 =	sor.u32 s19, s30;
	v7 =	vld [tilespmem:s26+$0x0];
	s26 =	sor.u32 s24, s30;
	v0 =	vadd.f32 v3, v0  }
0x18e: {  	s30 =	sadd.s32 $0xC800, s25;
	v1 =	vadd.f32 v4, v1;
	v3 =	vld [tilespmem:s29+$0x0]  }
0x18f: {  	s29 =	sor.u32 s19, s30;
	v4 =	vld [tilespmem:s28+$0x0];
	s28 =	sor.u32 s24, s30;
	v0 =	vadd.f32 v2, v0  }
0x190: {  	s30 =	sadd.s32 $0xC880, s25;
	v1 =	vadd.f32 v5, v1;
	v2 =	vld [tilespmem:s29+$0x0]  }
0x191: {  	s29 =	sor.u32 s19, s30;
	v5 =	vld [tilespmem:s26+$0x0];
	s26 =	sor.u32 s24, s30;
	v0 =	vadd.f32 v6, v0  }
0x192: {  	s30 =	sadd.s32 $0xC900, s25;
	v1 =	vadd.f32 v7, v1;
	v6 =	vld [tilespmem:s29+$0x0]  }
0x193: {  	s29 =	sor.u32 s19, s30;
	v7 =	vld [tilespmem:s28+$0x0];
	s28 =	sor.u32 s24, s30;
	v0 =	vadd.f32 v3, v0  }
0x194: {  	s30 =	sadd.s32 $0xC980, s25;
	v1 =	vadd.f32 v4, v1;
	v3 =	vld [tilespmem:s29+$0x0]  }
0x195: {  	s29 =	sor.u32 s19, s30;
	v4 =	vld [tilespmem:s26+$0x0];
	s26 =	sor.u32 s24, s30;
	v0 =	vadd.f32 v2, v0  }
0x196: {  	s30 =	sadd.s32 $0xCA00, s25;
	v1 =	vadd.f32 v5, v1;
	v2 =	vld [tilespmem:s29+$0x0]  }
0x197: {  	s29 =	sor.u32 s19, s30;
	v5 =	vld [tilespmem:s28+$0x0];
	s28 =	sor.u32 s24, s30;
	v0 =	vadd.f32 v6, v0  }
0x198: {  	s30 =	sadd.s32 $0xCA80, s25;
	v1 =	vadd.f32 v7, v1;
	v6 =	vld [tilespmem:s29+$0x0]  }
0x199: {  	s29 =	sor.u32 s19, s30;
	v7 =	vld [tilespmem:s26+$0x0];
	s26 =	sor.u32 s24, s30;
	v0 =	vadd.f32 v3, v0  }
0x19a: {  	s30 =	sadd.s32 $0xCB00, s25;
	v1 =	vadd.f32 v4, v1;
	v3 =	vld [tilespmem:s29+$0x0]  }
0x19b: {  	s29 =	sor.u32 s19, s30;
	v4 =	vld [tilespmem:s28+$0x0];
	s28 =	sor.u32 s24, s30;
	v0 =	vadd.f32 v2, v0  }
0x19c: {  	s30 =	sadd.s32 $0xCB80, s25;
	v1 =	vadd.f32 v5, v1;
	v2 =	vld [tilespmem:s29+$0x0]  }
0x19d: {  	s29 =	sor.u32 s19, s30;
	v5 =	vld [tilespmem:s26+$0x0];
	s26 =	sor.u32 s24, s30;
	v0 =	vadd.f32 v6, v0  }
0x19e: {  	s30 =	sadd.s32 $0x12C00, s25;
	v1 =	vadd.f32 v7, v1;
	v6 =	vld [tilespmem:s29+$0x0]  }
0x19f: {  	s29 =	sor.u32 s19, s30;
	v7 =	vld [tilespmem:s28+$0x0];
	s28 =	sor.u32 s24, s30;
	v0 =	vadd.f32 v3, v0  }
0x1a0: {  	s30 =	sadd.s32 $0x12C80, s25;
	v1 =	vadd.f32 v4, v1;
	v3 =	vld [tilespmem:s29+$0x0]  }
0x1a1: {  	s29 =	sor.u32 s19, s30;
	v4 =	vld [tilespmem:s26+$0x0];
	s26 =	sor.u32 s24, s30;
	v0 =	vadd.f32 v2, v0  }
0x1a2: {  	s30 =	sadd.s32 $0x12D00, s25;
	v1 =	vadd.f32 v5, v1;
	v2 =	vld [tilespmem:s29+$0x0]  }
0x1a3: {  	s29 =	sor.u32 s19, s30;
	v5 =	vld [tilespmem:s28+$0x0];
	s28 =	sor.u32 s24, s30;
	v0 =	vadd.f32 v6, v0  }
0x1a4: {  	s30 =	sadd.s32 $0x12D80, s25;
	v1 =	vadd.f32 v7, v1;
	v6 =	vld [tilespmem:s29+$0x0]  }
0x1a5: {  	s29 =	sor.u32 s19, s30;
	v7 =	vld [tilespmem:s26+$0x0];
	s26 =	sor.u32 s24, s30;
	v0 =	vadd.f32 v3, v0  }
0x1a6: {  	s30 =	sadd.s32 $0x12E00, s25;
	v1 =	vadd.f32 v4, v1;
	v3 =	vld [tilespmem:s29+$0x0]  }
0x1a7: {  	s29 =	sor.u32 s19, s30;
	v4 =	vld [tilespmem:s28+$0x0];
	s28 =	sor.u32 s24, s30;
	v0 =	vadd.f32 v2, v0  }
0x1a8: {  	s30 =	sadd.s32 $0x12E80, s25;
	v2 =	vadd.f32 v5, v1;
	v5 =	vld [tilespmem:s29+$0x0]  }
.Ltmp5:
0x1a9: {  	s29 =	sor.u32 s24, s30;
	v1 =	vld [tilespmem:s26+$0x0];
	v6 =	vadd.f32 v6, v0;
	s26 =	sor.u32 s19, s30;
	(pc) =	sbr.rel @p1 .LBB2_3-.Ltmp5, $4  }
0x1aa: {  	s30 =	sadd.s32 $0x12F00, s25;
	v7 =	vadd.f32 v7, v2;
	v0 =	vld [tilespmem:s26+$0x0]  }
0x1ab: {  	s26 =	sor.u32 s24, s30;
	v2 =	vld [tilespmem:s28+$0x0];
	v8 =	vadd.f32 v3, v6;
	s28 =	sor.u32 s19, s30  }
0x1ac: {  	s25 =	sadd.s32 $0x12F80, s25;
	v6 =	vadd.f32 v4, v7;
	v3 =	vld [tilespmem:s28+$0x0]  }
0x1ad: {  	s21 =	sadd.s32 $0x20, s21;
	s28 =	sor.u32 s24, s25;
	s25 =	sor.u32 s19, s25;
	v4 =	vld [tilespmem:s29+$0x0];
	v5 =	vadd.f32 v5, v8  }
0x1ae: {  	v1 =	vadd.f32 v1, v6  }
0x1af: {  	v62 =	vld [tilespmem:s26+$0x0]  }
0x1b0: {  	v7 =	vld [tilespmem:s25+$0x0];
	v1 =	vadd.f32 v2, v1  }
0x1b1: {  	v63 =	vld [tilespmem:s28+$0x0];
	v0 =	vadd.f32 v0, v5  }
0x1b2: {  	v1 =	vadd.f32 v4, v1  }
0x1b3: {  	v0 =	vadd.f32 v3, v0  }
0x1b4: {  	v1 =	vadd.f32 v62, v1  }
0x1b5: {  	s18 =	sand.u32 $0xF80, s18;
	v0 =	vadd.f32 v7, v0  }
0x1b6: {  	s18 =	sor.u32 s19, s18;
	v1 =	vadd.f32 v63, v1  }
0x1b7: {  	s31 =	sadd.s32 $0x20, s23;
	[tilespmem:s18+$0x19000] =	vst v0  }
.Ltmp6:
0x1b8: {  	[tilespmem:s31+$0x0] =	vst v1;
	(pc) =	sbr.rel .LBB2_8-.Ltmp6, $4  }
0x1b9: {  	[hbm4b:s4+s2] =	stream.linear.scatter [tilespmem:s15], [sflag:$0x1], $0xC80, $0x38;
	[tilespmem:$0x19C80] =	vst v63  }
0x1ba: {  	_ =	swait.ge [sflag:s14], $0xC80  }
0x1bb: {  	[sflag:s14] =	ssyncset.done $0x0  }
0x1bc: {  	[sflag:s14] =	ssyncadd.s32 $0xFFFFF380  }
.LBB2_9:
0x1bd: {  	_ =	sfence.sel $0x180000  }
0x1be: {  	[bflag:$0x0] =	sbarrier.arrive $0xFFFF  }
0x1bf: {  	p0 =	sne.s32 s0, $0x0;
	_ =	strace $0x9000004A  }
0x1c0: {  	s0 =	sadd.s32 @!p0 $0x100000, s1;
	[bflag:$0x2] =	sbarrier.arrive $0xFFFF  }
0x1c1: {  	[sflag:s0] =	ssyncadd.tile.s32 @!p0 $0x1;
	_ =	shalt  }
.Lfunc_end2:
_tile_overlayer_lowered:
.L_overlay_start_2:
0x1c2: {  	(tag) =	ssettag $0x2  }
0x1c3: {  	s0 =	rddreg [dreg:$0x0];
	s2 =	stileid.u32  }
0x1c4: {  	s1 =	rddreg [dreg:$0x1];
	p0 =	sne.s32 s2, $0x0  }
0x1c5: {  	s3 =	rddreg [dreg:$0x2];
	[bflag:$0x3] =	sbarrier.arrive $0xFFFF;
	s2 =	simm.s32 @!p0 $0x1C01  }
0x1c6: {  	[timem:s3], [sflag:s2] =	dma.local @!p0 [hbm:s0], s1  }
0x1c7: {  	s0 =	simm.s32 @!p0 $0x1  }
0x1c8: {  	_ =	swait.ge @!p0 [sflag:s0], s1  }
0x1c9: {  	s1 =	ssub.s32 @!p0 $0x0, s1;
	[sflag:s0] =	ssyncset.done @!p0 $0x0  }
0x1ca: {  	[sflag:s0] =	ssyncadd.s32 @!p0 s1  }
0x1cb: {  	[bflag:$0x3] =	sbarrier.arrive $0xFFFF  }
0x1cc: {  	_ =	shalt  }

</sc_bundles>
